<compile_context>
chip_gen: v7x
topology: tpu7x:2x2x1
jax: 0.10.2.dev20260603
libtpu: 0.0.44.dev20260713+nightly
codegen_flags: <defaults>
</compile_context>

<pallas_src>
import functools

import jax
import jax.numpy as jnp
from jax import lax
from jax.experimental import pallas as pl
from jax.experimental.pallas import tpu as pltpu
from jax.experimental.pallas import tpu_sc as plsc

_NLN9 = -2.1972245773362196
_NINTH = 0.1111111111111111
_N = 16777216
_NC, _NS, _L = 2, 16, 16
_NW = _NC * _NS
_PER_W = _N // _NW
_ROWS = 128
_CHUNK = _ROWS * 128
_NCHUNKS = _PER_W // _CHUNK
_NBUF = 2

_mesh = plsc.VectorSubcoreMesh(
    core_axis_name="c", subcore_axis_name="s",
    num_cores=_NC, num_subcores=_NS)


@functools.partial(
    pl.kernel,
    out_type=jax.ShapeDtypeStruct((_N // 128, 128), jnp.float32),
    mesh=_mesh,
    scratch_types=[
        pltpu.VMEM((_NBUF, _ROWS, 128), jnp.float32),
        pltpu.VMEM((_NBUF, _ROWS, 128), jnp.float32),
        pltpu.VMEM((_L,), jnp.float32),
        pltpu.VMEM((_L,), jnp.float32),
    ] + [pltpu.SemaphoreType.DMA] * (2 * _NBUF),
)
def _bspline_sc2(x_hbm, a_hbm, d_hbm, out_hbm, xbuf, ybuf, a_v, d_v,
                 in0, in1, out0, out1):
    insem = (in0, in1)
    outsem = (out0, out1)
    wid = lax.axis_index("s") * _NC + lax.axis_index("c")
    rbase = wid * (_PER_W // 128)
    pltpu.sync_copy(a_hbm, a_v)
    pltpu.sync_copy(d_hbm, d_v)
    av = a_v[...]
    dv = d_v[...]

    def in_slice(c):
        return x_hbm.at[pl.ds(rbase + c * _ROWS, _ROWS)]

    def out_slice(c):
        return out_hbm.at[pl.ds(rbase + c * _ROWS, _ROWS)]

    for b in range(_NBUF):
        pltpu.async_copy(in_slice(b), xbuf.at[b], insem[b])

    @pl.loop(0, _NCHUNKS, step=_NBUF)
    def _outer(c0):
        for b in range(_NBUF):
            c = c0 + b
            pltpu.make_async_copy(in_slice(c), xbuf.at[b], insem[b]).wait()

            @pl.when(c >= _NBUF)
            def _():
                pltpu.make_async_copy(
                    ybuf.at[b], out_slice(c - _NBUF), outsem[b]).wait()

            @plsc.parallel_loop(0, _CHUNK // _L, unroll=6)
            def _vec(i):
                r = i >> 3
                jo = (i & 7) * _L
                x = xbuf[b, r, pl.ds(jo, _L)]
                t = 1.0 / (jnp.exp(_NLN9 - x) + _NINTH)
                k = t.astype(jnp.int32)
                ga = av.at[k].get(mode="promise_in_bounds")
                gd = dv.at[k].get(mode="promise_in_bounds")
                ybuf[b, r, pl.ds(jo, _L)] = ga + gd * t

            @pl.when(c + _NBUF < _NCHUNKS)
            def _():
                pltpu.async_copy(in_slice(c + _NBUF), xbuf.at[b], insem[b])

            pltpu.async_copy(ybuf.at[b], out_slice(c), outsem[b])

    for b in range(_NBUF):
        c = _NCHUNKS - _NBUF + b
        pltpu.make_async_copy(ybuf.at[b], out_slice(c), outsem[b]).wait()


def kernel(x, coeffs):
    coeffs = coeffs.astype(jnp.float32)
    a = jnp.zeros((_L,), jnp.float32).at[:13].set(coeffs)
    d = jnp.zeros((_L,), jnp.float32).at[:12].set(coeffs[1:] - coeffs[:-1])
    a = a - jnp.arange(_L, dtype=jnp.float32) * d
    return _bspline_sc2(x.reshape(_N // 128, 128), a, d).reshape(_N)

# --- scband reference (transcript-rebuilt; emitter-appended) ---
"""Pipeline reference for scband-bspline-function-64355789963716 (READ-ONLY COPY).

The authoritative reference and input builder live on the scoring server;
editing this copy changes nothing except your own understanding.
"""

import jax, jax.numpy as jnp
import numpy as np

GRID_SIZE = 10
ORDER = 3

def setup_inputs(seed: int = 0) -> dict:
    key = jax.random.key(seed)
    k1, k2 = jax.random.split(key)
    x = jax.random.normal(k1, (16777216,), dtype=jnp.float32)
    coeffs = jax.random.normal(k2, (GRID_SIZE + ORDER,), dtype=jnp.float32) * 0.1
    return {"x": x, "coeffs": coeffs}

def reference(x, coeffs):
    n_coeffs = coeffs.shape[0]
    x_clamped = jax.nn.sigmoid(x)
    idx = x_clamped * (GRID_SIZE - 1)
    k = idx.astype(jnp.int32)
    w1 = idx - k.astype(idx.dtype)
    w0 = 1.0 - w1
    c0 = jnp.take(coeffs, jnp.clip(k, 0, n_coeffs - 1), axis=0)
    c1 = jnp.take(coeffs, jnp.clip(k + 1, 0, n_coeffs - 1), axis=0)
    return c0 * w0 + c1 * w1

if __name__ == "__main__":
    import jax
    _d = setup_inputs()
    print(jax.jit(kernel)(*tuple(_d.values())))

</pallas_src>

<mosaic_0001>
#map = affine_map<(d0, d1) -> (0, 0)>
#map1 = affine_map<(d0, d1) -> (0)>
module attributes {stable_mosaic.version = 14 : i64} {
  func.func @_bspline_sc2(%arg0: i32, %arg1: i32, %arg2: memref<131072x128xf32, #tpu.memory_space<hbm>>, %arg3: memref<16xf32, #tpu.memory_space<hbm>>, %arg4: memref<16xf32, #tpu.memory_space<hbm>>, %arg5: memref<131072x128xf32, #tpu.memory_space<hbm>>, %arg6: memref<2x128x128xf32, #tpu.memory_space<vmem>>, %arg7: memref<2x128x128xf32, #tpu.memory_space<vmem>>, %arg8: memref<16xf32, #tpu.memory_space<vmem>>, %arg9: memref<16xf32, #tpu.memory_space<vmem>>, %arg10: memref<!tpu.dma_semaphore, #tpu.memory_space<semaphore_mem>>, %arg11: memref<!tpu.dma_semaphore, #tpu.memory_space<semaphore_mem>>, %arg12: memref<!tpu.dma_semaphore, #tpu.memory_space<semaphore_mem>>, %arg13: memref<!tpu.dma_semaphore, #tpu.memory_space<semaphore_mem>>) attributes {dimension_semantics = [#tpu.dimension_semantics<core_parallel>, #tpu.dimension_semantics<subcore_parallel>], iteration_bounds = array<i64: 2, 16>, scalar_prefetch = 0 : i64, scratch_operands = 8 : i64, tpu.core_type = #tpu.core_type<sc_vector_subcore>, window_params = [{transform_indices = #map}, {transform_indices = #map1}, {transform_indices = #map1}, {transform_indices = #map}]} {
    %mul3A = arith.constant 2 : i32
    %mul3A_0 = arith.muli %arg1, %mul3A : i32
    %add3A = arith.addi %mul3A_0, %arg0 : i32
    %mul3A_1 = arith.constant 4096 : i32
    %mul3A_2 = arith.muli %add3A, %mul3A_1 : i32
    "tpu.region"() ({
      %run_scoped3A = tpu.sem_alloc : memref<!tpu.dma_semaphore, #tpu.memory_space<semaphore_mem>>
      tpu.enqueue_dma source(%arg3 : memref<16xf32, #tpu.memory_space<hbm>>) target(%arg8 : memref<16xf32, #tpu.memory_space<vmem>>) target_semaphore(%run_scoped3A : memref<!tpu.dma_semaphore, #tpu.memory_space<semaphore_mem>>)
      tpu.wait_dma2 semaphore(%run_scoped3A : memref<!tpu.dma_semaphore, #tpu.memory_space<semaphore_mem>>) src(%arg3 : memref<16xf32, #tpu.memory_space<hbm>>) dst(%arg8 : memref<16xf32, #tpu.memory_space<vmem>>)
      tpu.yield
    }) : () -> ()
    "tpu.region"() ({
      %run_scoped3A = tpu.sem_alloc : memref<!tpu.dma_semaphore, #tpu.memory_space<semaphore_mem>>
      tpu.enqueue_dma source(%arg4 : memref<16xf32, #tpu.memory_space<hbm>>) target(%arg9 : memref<16xf32, #tpu.memory_space<vmem>>) target_semaphore(%run_scoped3A : memref<!tpu.dma_semaphore, #tpu.memory_space<semaphore_mem>>)
      tpu.wait_dma2 semaphore(%run_scoped3A : memref<!tpu.dma_semaphore, #tpu.memory_space<semaphore_mem>>) src(%arg4 : memref<16xf32, #tpu.memory_space<hbm>>) dst(%arg9 : memref<16xf32, #tpu.memory_space<vmem>>)
      tpu.yield
    }) : () -> ()
    %get3A = arith.constant 0 : index
    %get3A_3 = tpu.vector_load %arg8[%get3A] {strides = array<i32>} : memref<16xf32, #tpu.memory_space<vmem>>, vector<16xf32>,
    %get3A_4 = vector.shape_cast %get3A_3 : vector<16xf32> to vector<16xf32>
    %get3A_5 = arith.constant 0 : index
    %get3A_6 = tpu.vector_load %arg9[%get3A_5] {strides = array<i32>} : memref<16xf32, #tpu.memory_space<vmem>>, vector<16xf32>,
    %get3A_7 = vector.shape_cast %get3A_6 : vector<16xf32> to vector<16xf32>
    %add3A_8 = arith.constant 0 : i32
    %add3A_9 = arith.addi %mul3A_2, %add3A_8 : i32
    %dma_start3A = arith.constant 0 : i32
    %dma_start3A_10 = arith.constant 0 : i32
    %dma_start3A_11 = arith.constant 0 : i32
    %dma_start3A_12 = tpu.memref_slice %arg6[%dma_start3A, %dma_start3A_10, %dma_start3A_11] : memref<2x128x128xf32, #tpu.memory_space<vmem>> -> memref<1x128x128xf32, #tpu.memory_space<vmem>>
    %dma_start3A_13 = tpu.memref_squeeze %dma_start3A_12 : memref<1x128x128xf32, #tpu.memory_space<vmem>> -> memref<128x128xf32, #tpu.memory_space<vmem>>
    %dma_start3A_14 = arith.constant 0 : i32
    %dma_start3A_15 = tpu.memref_slice %arg2[%add3A_9, %dma_start3A_14] : memref<131072x128xf32, #tpu.memory_space<hbm>> -> memref<128x128xf32, #tpu.memory_space<hbm>>
    %dma_start3A_16 = arith.constant 0 : i32
    %dma_start3A_17 = arith.constant 0 : i32
    %dma_start3A_18 = tpu.memref_slice %arg6[%dma_start3A, %dma_start3A_16, %dma_start3A_17] : memref<2x128x128xf32, #tpu.memory_space<vmem>> -> memref<1x128x128xf32, #tpu.memory_space<vmem>>
    %dma_start3A_19 = tpu.memref_squeeze %dma_start3A_18 : memref<1x128x128xf32, #tpu.memory_space<vmem>> -> memref<128x128xf32, #tpu.memory_space<vmem>>
    %dma_start3A_20 = arith.constant 0 : i32
    %dma_start3A_21 = tpu.memref_slice %arg2[%add3A_9, %dma_start3A_20] : memref<131072x128xf32, #tpu.memory_space<hbm>> -> memref<128x128xf32, #tpu.memory_space<hbm>>
    tpu.enqueue_dma source(%dma_start3A_21 : memref<128x128xf32, #tpu.memory_space<hbm>>) target(%dma_start3A_19 : memref<128x128xf32, #tpu.memory_space<vmem>>) target_semaphore(%arg10 : memref<!tpu.dma_semaphore, #tpu.memory_space<semaphore_mem>>)
    %add3A_22 = arith.constant 128 : i32
    %add3A_23 = arith.addi %mul3A_2, %add3A_22 : i32
    %dma_start3A_24 = arith.constant 1 : i32
    %dma_start3A_25 = arith.constant 0 : i32
    %dma_start3A_26 = arith.constant 0 : i32
    %dma_start3A_27 = tpu.memref_slice %arg6[%dma_start3A_24, %dma_start3A_25, %dma_start3A_26] : memref<2x128x128xf32, #tpu.memory_space<vmem>> -> memref<1x128x128xf32, #tpu.memory_space<vmem>>
    %dma_start3A_28 = tpu.memref_squeeze %dma_start3A_27 : memref<1x128x128xf32, #tpu.memory_space<vmem>> -> memref<128x128xf32, #tpu.memory_space<vmem>>
    %dma_start3A_29 = arith.constant 0 : i32
    %dma_start3A_30 = tpu.memref_slice %arg2[%add3A_23, %dma_start3A_29] : memref<131072x128xf32, #tpu.memory_space<hbm>> -> memref<128x128xf32, #tpu.memory_space<hbm>>
    %dma_start3A_31 = arith.constant 0 : i32
    %dma_start3A_32 = arith.constant 0 : i32
    %dma_start3A_33 = tpu.memref_slice %arg6[%dma_start3A_24, %dma_start3A_31, %dma_start3A_32] : memref<2x128x128xf32, #tpu.memory_space<vmem>> -> memref<1x128x128xf32, #tpu.memory_space<vmem>>
    %dma_start3A_34 = tpu.memref_squeeze %dma_start3A_33 : memref<1x128x128xf32, #tpu.memory_space<vmem>> -> memref<128x128xf32, #tpu.memory_space<vmem>>
    %dma_start3A_35 = arith.constant 0 : i32
    %dma_start3A_36 = tpu.memref_slice %arg2[%add3A_23, %dma_start3A_35] : memref<131072x128xf32, #tpu.memory_space<hbm>> -> memref<128x128xf32, #tpu.memory_space<hbm>>
    tpu.enqueue_dma source(%dma_start3A_36 : memref<128x128xf32, #tpu.memory_space<hbm>>) target(%dma_start3A_34 : memref<128x128xf32, #tpu.memory_space<vmem>>) target_semaphore(%arg11 : memref<!tpu.dma_semaphore, #tpu.memory_space<semaphore_mem>>)
    %scan3A = arith.constant 0 : i32
    %scan3A_37 = arith.constant 16 : i32
    %scan3A_38 = arith.addi %scan3A, %scan3A_37 : i32
    %scan3A_39 = arith.constant 1 : i32
    scf.for %scan3A_70 = %scan3A to %scan3A_38 step %scan3A_39  : i32 {
      %mul3A_71 = arith.constant 2 : i32
      %mul3A_72 = arith.muli %scan3A_70, %mul3A_71 : i32
      %add3A_73 = arith.constant 0 : i32
      %add3A_74 = arith.addi %add3A_73, %mul3A_72 : i32
      %add3A_75 = arith.constant 0 : i32
      %add3A_76 = arith.addi %add3A_74, %add3A_75 : i32
      %mul3A_77 = arith.constant 128 : i32
      %mul3A_78 = arith.muli %add3A_76, %mul3A_77 : i32
      %add3A_79 = arith.addi %mul3A_2, %mul3A_78 : i32
      %dma_wait3A_80 = arith.constant 0 : i32
      %dma_wait3A_81 = arith.constant 0 : i32
      %dma_wait3A_82 = arith.constant 0 : i32
      %dma_wait3A_83 = tpu.memref_slice %arg6[%dma_wait3A_80, %dma_wait3A_81, %dma_wait3A_82] : memref<2x128x128xf32, #tpu.memory_space<vmem>> -> memref<1x128x128xf32, #tpu.memory_space<vmem>>
      %dma_wait3A_84 = tpu.memref_squeeze %dma_wait3A_83 : memref<1x128x128xf32, #tpu.memory_space<vmem>> -> memref<128x128xf32, #tpu.memory_space<vmem>>
      %dma_wait3A_85 = arith.constant 0 : i32
      %dma_wait3A_86 = tpu.memref_slice %arg2[%add3A_79, %dma_wait3A_85] : memref<131072x128xf32, #tpu.memory_space<hbm>> -> memref<128x128xf32, #tpu.memory_space<hbm>>
      %dma_wait3A_87 = arith.constant 0 : i32
      %dma_wait3A_88 = arith.constant 0 : i32
      %dma_wait3A_89 = tpu.memref_slice %arg6[%dma_wait3A_80, %dma_wait3A_87, %dma_wait3A_88] : memref<2x128x128xf32, #tpu.memory_space<vmem>> -> memref<1x128x128xf32, #tpu.memory_space<vmem>>
      %dma_wait3A_90 = tpu.memref_squeeze %dma_wait3A_89 : memref<1x128x128xf32, #tpu.memory_space<vmem>> -> memref<128x128xf32, #tpu.memory_space<vmem>>
      %dma_wait3A_91 = arith.constant 0 : i32
      %dma_wait3A_92 = tpu.memref_slice %arg2[%add3A_79, %dma_wait3A_91] : memref<131072x128xf32, #tpu.memory_space<hbm>> -> memref<128x128xf32, #tpu.memory_space<hbm>>
      tpu.wait_dma2 semaphore(%arg10 : memref<!tpu.dma_semaphore, #tpu.memory_space<semaphore_mem>>) src(%dma_wait3A_92 : memref<128x128xf32, #tpu.memory_space<hbm>>) dst(%dma_wait3A_90 : memref<128x128xf32, #tpu.memory_space<vmem>>)
      %ge3A = arith.constant 2 : i32
      %ge3A_93 = arith.cmpi sge, %add3A_76, %ge3A : i32
      %convert_element_type3A = arith.extui %ge3A_93 : i1 to i32
      %cond3A = arith.constant 0 : i32
      %cond3A_94 = arith.cmpi ne, %convert_element_type3A, %cond3A : i32
      scf.if %cond3A_94 {
        %sub3A = arith.constant 2 : i32
        %sub3A_168 = arith.subi %add3A_76, %sub3A : i32
        %mul3A_169 = arith.constant 128 : i32
        %mul3A_170 = arith.muli %sub3A_168, %mul3A_169 : i32
        %add3A_171 = arith.addi %mul3A_2, %mul3A_170 : i32
        %dma_wait3A_172 = arith.constant 0 : i32
        %dma_wait3A_173 = arith.constant 0 : i32
        %dma_wait3A_174 = arith.constant 0 : i32
        %dma_wait3A_175 = tpu.memref_slice %arg7[%dma_wait3A_172, %dma_wait3A_173, %dma_wait3A_174] : memref<2x128x128xf32, #tpu.memory_space<vmem>> -> memref<1x128x128xf32, #tpu.memory_space<vmem>>
        %dma_wait3A_176 = tpu.memref_squeeze %dma_wait3A_175 : memref<1x128x128xf32, #tpu.memory_space<vmem>> -> memref<128x128xf32, #tpu.memory_space<vmem>>
        %dma_wait3A_177 = arith.constant 0 : i32
        %dma_wait3A_178 = tpu.memref_slice %arg5[%add3A_171, %dma_wait3A_177] : memref<131072x128xf32, #tpu.memory_space<hbm>> -> memref<128x128xf32, #tpu.memory_space<hbm>>
        %dma_wait3A_179 = arith.constant 0 : i32
        %dma_wait3A_180 = tpu.memref_slice %arg5[%add3A_171, %dma_wait3A_179] : memref<131072x128xf32, #tpu.memory_space<hbm>> -> memref<128x128xf32, #tpu.memory_space<hbm>>
        %dma_wait3A_181 = arith.constant 0 : i32
        %dma_wait3A_182 = arith.constant 0 : i32
        %dma_wait3A_183 = tpu.memref_slice %arg7[%dma_wait3A_172, %dma_wait3A_181, %dma_wait3A_182] : memref<2x128x128xf32, #tpu.memory_space<vmem>> -> memref<1x128x128xf32, #tpu.memory_space<vmem>>
        %dma_wait3A_184 = tpu.memref_squeeze %dma_wait3A_183 : memref<1x128x128xf32, #tpu.memory_space<vmem>> -> memref<128x128xf32, #tpu.memory_space<vmem>>
        tpu.wait_dma2 semaphore(%arg12 : memref<!tpu.dma_semaphore, #tpu.memory_space<semaphore_mem>>) src(%dma_wait3A_184 : memref<128x128xf32, #tpu.memory_space<vmem>>) dst(%dma_wait3A_180 : memref<128x128xf32, #tpu.memory_space<hbm>>)
      } else {
      }
      %parallel_loop3A = arith.constant 0 : i32
      %parallel_loop3A_95 = arith.constant 1024 : i32
      %parallel_loop3A_96 = arith.constant 1 : i32
      scf.for %parallel_loop3A_168 = %parallel_loop3A to %parallel_loop3A_95 step %parallel_loop3A_96  : i32 {
        %parallel_loop3A_169 = arith.constant 3 : i32
        %parallel_loop3A_170 = arith.shrsi %parallel_loop3A_168, %parallel_loop3A_169 : i32
        %parallel_loop3A_171 = arith.constant 7 : i32
        %parallel_loop3A_172 = arith.andi %parallel_loop3A_168, %parallel_loop3A_171 : i32
        %parallel_loop3A_173 = arith.constant 16 : i32
        %parallel_loop3A_174 = arith.muli %parallel_loop3A_172, %parallel_loop3A_173 : i32
        %parallel_loop3A_175 = arith.constant 0 : i32
        %parallel_loop3A_176 = arith.index_cast %parallel_loop3A_175 : i32 to index
        %parallel_loop3A_177 = arith.index_cast %parallel_loop3A_170 : i32 to index
        %parallel_loop3A_178 = arith.index_cast %parallel_loop3A_174 : i32 to index
        %parallel_loop3A_179 = tpu.vector_load %arg6[%parallel_loop3A_176, %parallel_loop3A_177, %parallel_loop3A_178] {strides = array<i32>} : memref<2x128x128xf32, #tpu.memory_space<vmem>>, vector<1x1x16xf32>,
        %parallel_loop3A_180 = vector.shape_cast %parallel_loop3A_179 : vector<1x1x16xf32> to vector<16xf32>
        %parallel_loop3A_181 = arith.constant -2.19722462 : f32
        %parallel_loop3A_182 = vector.broadcast %parallel_loop3A_181 : f32 to vector<16xf32>
        %parallel_loop3A_183 = arith.subf %parallel_loop3A_182, %parallel_loop3A_180 : vector<16xf32>
        %parallel_loop3A_184 = math.exp %parallel_loop3A_183 : vector<16xf32>
        %parallel_loop3A_185 = arith.constant 0.111111112 : f32
        %parallel_loop3A_186 = vector.broadcast %parallel_loop3A_185 : f32 to vector<16xf32>
        %parallel_loop3A_187 = arith.addf %parallel_loop3A_184, %parallel_loop3A_186 : vector<16xf32>
        %parallel_loop3A_188 = arith.constant 1.000000e+00 : f32
        %parallel_loop3A_189 = vector.broadcast %parallel_loop3A_188 : f32 to vector<16xf32>
        %parallel_loop3A_190 = arith.divf %parallel_loop3A_189, %parallel_loop3A_187 : vector<16xf32>
        %parallel_loop3A_191 = arith.fptosi %parallel_loop3A_190 : vector<16xf32> to vector<16xi32>
        %parallel_loop3A_192 = arith.constant 0 : i32
        %parallel_loop3A_193 = vector.broadcast %parallel_loop3A_192 : i32 to vector<16xi32>
        %parallel_loop3A_194 = arith.cmpi slt, %parallel_loop3A_191, %parallel_loop3A_193 : vector<16xi32>
        %parallel_loop3A_195 = arith.constant 16 : i32
        %parallel_loop3A_196 = vector.broadcast %parallel_loop3A_195 : i32 to vector<16xi32>
        %parallel_loop3A_197 = arith.addi %parallel_loop3A_191, %parallel_loop3A_196 : vector<16xi32>
        %parallel_loop3A_198 = arith.select %parallel_loop3A_194, %parallel_loop3A_197, %parallel_loop3A_191 : vector<16xi1>, vector<16xi32>
        %parallel_loop3A_199 = vector.shape_cast %parallel_loop3A_198 : vector<16xi32> to vector<16x1xi32>
        %parallel_loop3A_200 = vector.shape_cast %parallel_loop3A_199 : vector<16x1xi32> to vector<16xi32>
        %parallel_loop3A_201 = tpu.dynamic_gather %get3A_4[%parallel_loop3A_200] in [0] : vector<16xf32>, vector<16xi32> -> vector<16xf32>
        %parallel_loop3A_202 = arith.constant 0 : i32
        %parallel_loop3A_203 = vector.broadcast %parallel_loop3A_202 : i32 to vector<16xi32>
        %parallel_loop3A_204 = arith.cmpi slt, %parallel_loop3A_191, %parallel_loop3A_203 : vector<16xi32>
        %parallel_loop3A_205 = arith.constant 16 : i32
        %parallel_loop3A_206 = vector.broadcast %parallel_loop3A_205 : i32 to vector<16xi32>
        %parallel_loop3A_207 = arith.addi %parallel_loop3A_191, %parallel_loop3A_206 : vector<16xi32>
        %parallel_loop3A_208 = arith.select %parallel_loop3A_204, %parallel_loop3A_207, %parallel_loop3A_191 : vector<16xi1>, vector<16xi32>
        %parallel_loop3A_209 = vector.shape_cast %parallel_loop3A_208 : vector<16xi32> to vector<16x1xi32>
        %parallel_loop3A_210 = vector.shape_cast %parallel_loop3A_209 : vector<16x1xi32> to vector<16xi32>
        %parallel_loop3A_211 = tpu.dynamic_gather %get3A_7[%parallel_loop3A_210] in [0] : vector<16xf32>, vector<16xi32> -> vector<16xf32>
        %parallel_loop3A_212 = arith.mulf %parallel_loop3A_211, %parallel_loop3A_190 : vector<16xf32>
        %parallel_loop3A_213 = arith.addf %parallel_loop3A_201, %parallel_loop3A_212 : vector<16xf32>
        %parallel_loop3A_214 = arith.constant 0 : i32
        %parallel_loop3A_215 = arith.index_cast %parallel_loop3A_214 : i32 to index
        %parallel_loop3A_216 = arith.index_cast %parallel_loop3A_170 : i32 to index
        %parallel_loop3A_217 = arith.index_cast %parallel_loop3A_174 : i32 to index
        %parallel_loop3A_218 = tpu.vector_load %arg7[%parallel_loop3A_215, %parallel_loop3A_216, %parallel_loop3A_217] {strides = array<i32>} : memref<2x128x128xf32, #tpu.memory_space<vmem>>, vector<1x1x16xf32>,
        %parallel_loop3A_219 = vector.shape_cast %parallel_loop3A_218 : vector<1x1x16xf32> to vector<16xf32>
        %parallel_loop3A_220 = vector.shape_cast %parallel_loop3A_213 : vector<16xf32> to vector<1x1x16xf32>
        tpu.vector_store %arg7[%parallel_loop3A_215, %parallel_loop3A_216, %parallel_loop3A_217], %parallel_loop3A_220 {strides = array<i32>} : memref<2x128x128xf32, #tpu.memory_space<vmem>>, vector<1x1x16xf32>,
      } {sc.loop_unroll_factor = 6 : i64, sc.parallel_access}
      %add3A_97 = arith.constant 2 : i32
      %add3A_98 = arith.addi %add3A_76, %add3A_97 : i32
      %lt3A = arith.constant 32 : i32
      %lt3A_99 = arith.cmpi slt, %add3A_98, %lt3A : i32
      %convert_element_type3A_100 = arith.extui %lt3A_99 : i1 to i32
      %cond3A_101 = arith.constant 0 : i32
      %cond3A_102 = arith.cmpi ne, %convert_element_type3A_100, %cond3A_101 : i32
      scf.if %cond3A_102 {
        %add3A_168 = arith.constant 2 : i32
        %add3A_169 = arith.addi %add3A_76, %add3A_168 : i32
        %mul3A_170 = arith.constant 128 : i32
        %mul3A_171 = arith.muli %add3A_169, %mul3A_170 : i32
        %add3A_172 = arith.addi %mul3A_2, %mul3A_171 : i32
        %dma_start3A_173 = arith.constant 0 : i32
        %dma_start3A_174 = arith.constant 0 : i32
        %dma_start3A_175 = arith.constant 0 : i32
        %dma_start3A_176 = tpu.memref_slice %arg6[%dma_start3A_173, %dma_start3A_174, %dma_start3A_175] : memref<2x128x128xf32, #tpu.memory_space<vmem>> -> memref<1x128x128xf32, #tpu.memory_space<vmem>>
        %dma_start3A_177 = tpu.memref_squeeze %dma_start3A_176 : memref<1x128x128xf32, #tpu.memory_space<vmem>> -> memref<128x128xf32, #tpu.memory_space<vmem>>
        %dma_start3A_178 = arith.constant 0 : i32
        %dma_start3A_179 = tpu.memref_slice %arg2[%add3A_172, %dma_start3A_178] : memref<131072x128xf32, #tpu.memory_space<hbm>> -> memref<128x128xf32, #tpu.memory_space<hbm>>
        %dma_start3A_180 = arith.constant 0 : i32
        %dma_start3A_181 = arith.constant 0 : i32
        %dma_start3A_182 = tpu.memref_slice %arg6[%dma_start3A_173, %dma_start3A_180, %dma_start3A_181] : memref<2x128x128xf32, #tpu.memory_space<vmem>> -> memref<1x128x128xf32, #tpu.memory_space<vmem>>
        %dma_start3A_183 = tpu.memref_squeeze %dma_start3A_182 : memref<1x128x128xf32, #tpu.memory_space<vmem>> -> memref<128x128xf32, #tpu.memory_space<vmem>>
        %dma_start3A_184 = arith.constant 0 : i32
        %dma_start3A_185 = tpu.memref_slice %arg2[%add3A_172, %dma_start3A_184] : memref<131072x128xf32, #tpu.memory_space<hbm>> -> memref<128x128xf32, #tpu.memory_space<hbm>>
        tpu.enqueue_dma source(%dma_start3A_185 : memref<128x128xf32, #tpu.memory_space<hbm>>) target(%dma_start3A_183 : memref<128x128xf32, #tpu.memory_space<vmem>>) target_semaphore(%arg10 : memref<!tpu.dma_semaphore, #tpu.memory_space<semaphore_mem>>)
      } else {
      }
      %mul3A_103 = arith.constant 128 : i32
      %mul3A_104 = arith.muli %add3A_76, %mul3A_103 : i32
      %add3A_105 = arith.addi %mul3A_2, %mul3A_104 : i32
      %dma_start3A_106 = arith.constant 0 : i32
      %dma_start3A_107 = arith.constant 0 : i32
      %dma_start3A_108 = arith.constant 0 : i32
      %dma_start3A_109 = tpu.memref_slice %arg7[%dma_start3A_106, %dma_start3A_107, %dma_start3A_108] : memref<2x128x128xf32, #tpu.memory_space<vmem>> -> memref<1x128x128xf32, #tpu.memory_space<vmem>>
      %dma_start3A_110 = tpu.memref_squeeze %dma_start3A_109 : memref<1x128x128xf32, #tpu.memory_space<vmem>> -> memref<128x128xf32, #tpu.memory_space<vmem>>
      %dma_start3A_111 = arith.constant 0 : i32
      %dma_start3A_112 = tpu.memref_slice %arg5[%add3A_105, %dma_start3A_111] : memref<131072x128xf32, #tpu.memory_space<hbm>> -> memref<128x128xf32, #tpu.memory_space<hbm>>
      %dma_start3A_113 = arith.constant 0 : i32
      %dma_start3A_114 = tpu.memref_slice %arg5[%add3A_105, %dma_start3A_113] : memref<131072x128xf32, #tpu.memory_space<hbm>> -> memref<128x128xf32, #tpu.memory_space<hbm>>
      %dma_start3A_115 = arith.constant 0 : i32
      %dma_start3A_116 = arith.constant 0 : i32
      %dma_start3A_117 = tpu.memref_slice %arg7[%dma_start3A_106, %dma_start3A_115, %dma_start3A_116] : memref<2x128x128xf32, #tpu.memory_space<vmem>> -> memref<1x128x128xf32, #tpu.memory_space<vmem>>
      %dma_start3A_118 = tpu.memref_squeeze %dma_start3A_117 : memref<1x128x128xf32, #tpu.memory_space<vmem>> -> memref<128x128xf32, #tpu.memory_space<vmem>>
      tpu.enqueue_dma source(%dma_start3A_118 : memref<128x128xf32, #tpu.memory_space<vmem>>) target(%dma_start3A_114 : memref<128x128xf32, #tpu.memory_space<hbm>>) target_semaphore(%arg12 : memref<!tpu.dma_semaphore, #tpu.memory_space<semaphore_mem>>)
      %add3A_119 = arith.constant 1 : i32
      %add3A_120 = arith.addi %add3A_74, %add3A_119 : i32
      %mul3A_121 = arith.constant 128 : i32
      %mul3A_122 = arith.muli %add3A_120, %mul3A_121 : i32
      %add3A_123 = arith.addi %mul3A_2, %mul3A_122 : i32
      %dma_wait3A_124 = arith.constant 1 : i32
      %dma_wait3A_125 = arith.constant 0 : i32
      %dma_wait3A_126 = arith.constant 0 : i32
      %dma_wait3A_127 = tpu.memref_slice %arg6[%dma_wait3A_124, %dma_wait3A_125, %dma_wait3A_126] : memref<2x128x128xf32, #tpu.memory_space<vmem>> -> memref<1x128x128xf32, #tpu.memory_space<vmem>>
      %dma_wait3A_128 = tpu.memref_squeeze %dma_wait3A_127 : memref<1x128x128xf32, #tpu.memory_space<vmem>> -> memref<128x128xf32, #tpu.memory_space<vmem>>
      %dma_wait3A_129 = arith.constant 0 : i32
      %dma_wait3A_130 = tpu.memref_slice %arg2[%add3A_123, %dma_wait3A_129] : memref<131072x128xf32, #tpu.memory_space<hbm>> -> memref<128x128xf32, #tpu.memory_space<hbm>>
      %dma_wait3A_131 = arith.constant 0 : i32
      %dma_wait3A_132 = arith.constant 0 : i32
      %dma_wait3A_133 = tpu.memref_slice %arg6[%dma_wait3A_124, %dma_wait3A_131, %dma_wait3A_132] : memref<2x128x128xf32, #tpu.memory_space<vmem>> -> memref<1x128x128xf32, #tpu.memory_space<vmem>>
      %dma_wait3A_134 = tpu.memref_squeeze %dma_wait3A_133 : memref<1x128x128xf32, #tpu.memory_space<vmem>> -> memref<128x128xf32, #tpu.memory_space<vmem>>
      %dma_wait3A_135 = arith.constant 0 : i32
      %dma_wait3A_136 = tpu.memref_slice %arg2[%add3A_123, %dma_wait3A_135] : memref<131072x128xf32, #tpu.memory_space<hbm>> -> memref<128x128xf32, #tpu.memory_space<hbm>>
      tpu.wait_dma2 semaphore(%arg11 : memref<!tpu.dma_semaphore, #tpu.memory_space<semaphore_mem>>) src(%dma_wait3A_136 : memref<128x128xf32, #tpu.memory_space<hbm>>) dst(%dma_wait3A_134 : memref<128x128xf32, #tpu.memory_space<vmem>>)
      %ge3A_137 = arith.constant 2 : i32
      %ge3A_138 = arith.cmpi sge, %add3A_120, %ge3A_137 : i32
      %convert_element_type3A_139 = arith.extui %ge3A_138 : i1 to i32
      %cond3A_140 = arith.constant 0 : i32
      %cond3A_141 = arith.cmpi ne, %convert_element_type3A_139, %cond3A_140 : i32
      scf.if %cond3A_141 {
        %sub3A = arith.constant 2 : i32
        %sub3A_168 = arith.subi %add3A_120, %sub3A : i32
        %mul3A_169 = arith.constant 128 : i32
        %mul3A_170 = arith.muli %sub3A_168, %mul3A_169 : i32
        %add3A_171 = arith.addi %mul3A_2, %mul3A_170 : i32
        %dma_wait3A_172 = arith.constant 1 : i32
        %dma_wait3A_173 = arith.constant 0 : i32
        %dma_wait3A_174 = arith.constant 0 : i32
        %dma_wait3A_175 = tpu.memref_slice %arg7[%dma_wait3A_172, %dma_wait3A_173, %dma_wait3A_174] : memref<2x128x128xf32, #tpu.memory_space<vmem>> -> memref<1x128x128xf32, #tpu.memory_space<vmem>>
        %dma_wait3A_176 = tpu.memref_squeeze %dma_wait3A_175 : memref<1x128x128xf32, #tpu.memory_space<vmem>> -> memref<128x128xf32, #tpu.memory_space<vmem>>
        %dma_wait3A_177 = arith.constant 0 : i32
        %dma_wait3A_178 = tpu.memref_slice %arg5[%add3A_171, %dma_wait3A_177] : memref<131072x128xf32, #tpu.memory_space<hbm>> -> memref<128x128xf32, #tpu.memory_space<hbm>>
        %dma_wait3A_179 = arith.constant 0 : i32
        %dma_wait3A_180 = tpu.memref_slice %arg5[%add3A_171, %dma_wait3A_179] : memref<131072x128xf32, #tpu.memory_space<hbm>> -> memref<128x128xf32, #tpu.memory_space<hbm>>
        %dma_wait3A_181 = arith.constant 0 : i32
        %dma_wait3A_182 = arith.constant 0 : i32
        %dma_wait3A_183 = tpu.memref_slice %arg7[%dma_wait3A_172, %dma_wait3A_181, %dma_wait3A_182] : memref<2x128x128xf32, #tpu.memory_space<vmem>> -> memref<1x128x128xf32, #tpu.memory_space<vmem>>
        %dma_wait3A_184 = tpu.memref_squeeze %dma_wait3A_183 : memref<1x128x128xf32, #tpu.memory_space<vmem>> -> memref<128x128xf32, #tpu.memory_space<vmem>>
        tpu.wait_dma2 semaphore(%arg13 : memref<!tpu.dma_semaphore, #tpu.memory_space<semaphore_mem>>) src(%dma_wait3A_184 : memref<128x128xf32, #tpu.memory_space<vmem>>) dst(%dma_wait3A_180 : memref<128x128xf32, #tpu.memory_space<hbm>>)
      } else {
      }
      %parallel_loop3A_142 = arith.constant 0 : i32
      %parallel_loop3A_143 = arith.constant 1024 : i32
      %parallel_loop3A_144 = arith.constant 1 : i32
      scf.for %parallel_loop3A_168 = %parallel_loop3A_142 to %parallel_loop3A_143 step %parallel_loop3A_144  : i32 {
        %parallel_loop3A_169 = arith.constant 3 : i32
        %parallel_loop3A_170 = arith.shrsi %parallel_loop3A_168, %parallel_loop3A_169 : i32
        %parallel_loop3A_171 = arith.constant 7 : i32
        %parallel_loop3A_172 = arith.andi %parallel_loop3A_168, %parallel_loop3A_171 : i32
        %parallel_loop3A_173 = arith.constant 16 : i32
        %parallel_loop3A_174 = arith.muli %parallel_loop3A_172, %parallel_loop3A_173 : i32
        %parallel_loop3A_175 = arith.constant 1 : i32
        %parallel_loop3A_176 = arith.index_cast %parallel_loop3A_175 : i32 to index
        %parallel_loop3A_177 = arith.index_cast %parallel_loop3A_170 : i32 to index
        %parallel_loop3A_178 = arith.index_cast %parallel_loop3A_174 : i32 to index
        %parallel_loop3A_179 = tpu.vector_load %arg6[%parallel_loop3A_176, %parallel_loop3A_177, %parallel_loop3A_178] {strides = array<i32>} : memref<2x128x128xf32, #tpu.memory_space<vmem>>, vector<1x1x16xf32>,
        %parallel_loop3A_180 = vector.shape_cast %parallel_loop3A_179 : vector<1x1x16xf32> to vector<16xf32>
        %parallel_loop3A_181 = arith.constant -2.19722462 : f32
        %parallel_loop3A_182 = vector.broadcast %parallel_loop3A_181 : f32 to vector<16xf32>
        %parallel_loop3A_183 = arith.subf %parallel_loop3A_182, %parallel_loop3A_180 : vector<16xf32>
        %parallel_loop3A_184 = math.exp %parallel_loop3A_183 : vector<16xf32>
        %parallel_loop3A_185 = arith.constant 0.111111112 : f32
        %parallel_loop3A_186 = vector.broadcast %parallel_loop3A_185 : f32 to vector<16xf32>
        %parallel_loop3A_187 = arith.addf %parallel_loop3A_184, %parallel_loop3A_186 : vector<16xf32>
        %parallel_loop3A_188 = arith.constant 1.000000e+00 : f32
        %parallel_loop3A_189 = vector.broadcast %parallel_loop3A_188 : f32 to vector<16xf32>
        %parallel_loop3A_190 = arith.divf %parallel_loop3A_189, %parallel_loop3A_187 : vector<16xf32>
        %parallel_loop3A_191 = arith.fptosi %parallel_loop3A_190 : vector<16xf32> to vector<16xi32>
        %parallel_loop3A_192 = arith.constant 0 : i32
        %parallel_loop3A_193 = vector.broadcast %parallel_loop3A_192 : i32 to vector<16xi32>
        %parallel_loop3A_194 = arith.cmpi slt, %parallel_loop3A_191, %parallel_loop3A_193 : vector<16xi32>
        %parallel_loop3A_195 = arith.constant 16 : i32
        %parallel_loop3A_196 = vector.broadcast %parallel_loop3A_195 : i32 to vector<16xi32>
        %parallel_loop3A_197 = arith.addi %parallel_loop3A_191, %parallel_loop3A_196 : vector<16xi32>
        %parallel_loop3A_198 = arith.select %parallel_loop3A_194, %parallel_loop3A_197, %parallel_loop3A_191 : vector<16xi1>, vector<16xi32>
        %parallel_loop3A_199 = vector.shape_cast %parallel_loop3A_198 : vector<16xi32> to vector<16x1xi32>
        %parallel_loop3A_200 = vector.shape_cast %parallel_loop3A_199 : vector<16x1xi32> to vector<16xi32>
        %parallel_loop3A_201 = tpu.dynamic_gather %get3A_4[%parallel_loop3A_200] in [0] : vector<16xf32>, vector<16xi32> -> vector<16xf32>
        %parallel_loop3A_202 = arith.constant 0 : i32
        %parallel_loop3A_203 = vector.broadcast %parallel_loop3A_202 : i32 to vector<16xi32>
        %parallel_loop3A_204 = arith.cmpi slt, %parallel_loop3A_191, %parallel_loop3A_203 : vector<16xi32>
        %parallel_loop3A_205 = arith.constant 16 : i32
        %parallel_loop3A_206 = vector.broadcast %parallel_loop3A_205 : i32 to vector<16xi32>
        %parallel_loop3A_207 = arith.addi %parallel_loop3A_191, %parallel_loop3A_206 : vector<16xi32>
        %parallel_loop3A_208 = arith.select %parallel_loop3A_204, %parallel_loop3A_207, %parallel_loop3A_191 : vector<16xi1>, vector<16xi32>
        %parallel_loop3A_209 = vector.shape_cast %parallel_loop3A_208 : vector<16xi32> to vector<16x1xi32>
        %parallel_loop3A_210 = vector.shape_cast %parallel_loop3A_209 : vector<16x1xi32> to vector<16xi32>
        %parallel_loop3A_211 = tpu.dynamic_gather %get3A_7[%parallel_loop3A_210] in [0] : vector<16xf32>, vector<16xi32> -> vector<16xf32>
        %parallel_loop3A_212 = arith.mulf %parallel_loop3A_211, %parallel_loop3A_190 : vector<16xf32>
        %parallel_loop3A_213 = arith.addf %parallel_loop3A_201, %parallel_loop3A_212 : vector<16xf32>
        %parallel_loop3A_214 = arith.constant 1 : i32
        %parallel_loop3A_215 = arith.index_cast %parallel_loop3A_214 : i32 to index
        %parallel_loop3A_216 = arith.index_cast %parallel_loop3A_170 : i32 to index
        %parallel_loop3A_217 = arith.index_cast %parallel_loop3A_174 : i32 to index
        %parallel_loop3A_218 = tpu.vector_load %arg7[%parallel_loop3A_215, %parallel_loop3A_216, %parallel_loop3A_217] {strides = array<i32>} : memref<2x128x128xf32, #tpu.memory_space<vmem>>, vector<1x1x16xf32>,
        %parallel_loop3A_219 = vector.shape_cast %parallel_loop3A_218 : vector<1x1x16xf32> to vector<16xf32>
        %parallel_loop3A_220 = vector.shape_cast %parallel_loop3A_213 : vector<16xf32> to vector<1x1x16xf32>
        tpu.vector_store %arg7[%parallel_loop3A_215, %parallel_loop3A_216, %parallel_loop3A_217], %parallel_loop3A_220 {strides = array<i32>} : memref<2x128x128xf32, #tpu.memory_space<vmem>>, vector<1x1x16xf32>,
      } {sc.loop_unroll_factor = 6 : i64, sc.parallel_access}
      %add3A_145 = arith.constant 2 : i32
      %add3A_146 = arith.addi %add3A_120, %add3A_145 : i32
      %lt3A_147 = arith.constant 32 : i32
      %lt3A_148 = arith.cmpi slt, %add3A_146, %lt3A_147 : i32
      %convert_element_type3A_149 = arith.extui %lt3A_148 : i1 to i32
      %cond3A_150 = arith.constant 0 : i32
      %cond3A_151 = arith.cmpi ne, %convert_element_type3A_149, %cond3A_150 : i32
      scf.if %cond3A_151 {
        %add3A_168 = arith.constant 2 : i32
        %add3A_169 = arith.addi %add3A_120, %add3A_168 : i32
        %mul3A_170 = arith.constant 128 : i32
        %mul3A_171 = arith.muli %add3A_169, %mul3A_170 : i32
        %add3A_172 = arith.addi %mul3A_2, %mul3A_171 : i32
        %dma_start3A_173 = arith.constant 1 : i32
        %dma_start3A_174 = arith.constant 0 : i32
        %dma_start3A_175 = arith.constant 0 : i32
        %dma_start3A_176 = tpu.memref_slice %arg6[%dma_start3A_173, %dma_start3A_174, %dma_start3A_175] : memref<2x128x128xf32, #tpu.memory_space<vmem>> -> memref<1x128x128xf32, #tpu.memory_space<vmem>>
        %dma_start3A_177 = tpu.memref_squeeze %dma_start3A_176 : memref<1x128x128xf32, #tpu.memory_space<vmem>> -> memref<128x128xf32, #tpu.memory_space<vmem>>
        %dma_start3A_178 = arith.constant 0 : i32
        %dma_start3A_179 = tpu.memref_slice %arg2[%add3A_172, %dma_start3A_178] : memref<131072x128xf32, #tpu.memory_space<hbm>> -> memref<128x128xf32, #tpu.memory_space<hbm>>
        %dma_start3A_180 = arith.constant 0 : i32
        %dma_start3A_181 = arith.constant 0 : i32
        %dma_start3A_182 = tpu.memref_slice %arg6[%dma_start3A_173, %dma_start3A_180, %dma_start3A_181] : memref<2x128x128xf32, #tpu.memory_space<vmem>> -> memref<1x128x128xf32, #tpu.memory_space<vmem>>
        %dma_start3A_183 = tpu.memref_squeeze %dma_start3A_182 : memref<1x128x128xf32, #tpu.memory_space<vmem>> -> memref<128x128xf32, #tpu.memory_space<vmem>>
        %dma_start3A_184 = arith.constant 0 : i32
        %dma_start3A_185 = tpu.memref_slice %arg2[%add3A_172, %dma_start3A_184] : memref<131072x128xf32, #tpu.memory_space<hbm>> -> memref<128x128xf32, #tpu.memory_space<hbm>>
        tpu.enqueue_dma source(%dma_start3A_185 : memref<128x128xf32, #tpu.memory_space<hbm>>) target(%dma_start3A_183 : memref<128x128xf32, #tpu.memory_space<vmem>>) target_semaphore(%arg11 : memref<!tpu.dma_semaphore, #tpu.memory_space<semaphore_mem>>)
      } else {
      }
      %mul3A_152 = arith.constant 128 : i32
      %mul3A_153 = arith.muli %add3A_120, %mul3A_152 : i32
      %add3A_154 = arith.addi %mul3A_2, %mul3A_153 : i32
      %dma_start3A_155 = arith.constant 1 : i32
      %dma_start3A_156 = arith.constant 0 : i32
      %dma_start3A_157 = arith.constant 0 : i32
      %dma_start3A_158 = tpu.memref_slice %arg7[%dma_start3A_155, %dma_start3A_156, %dma_start3A_157] : memref<2x128x128xf32, #tpu.memory_space<vmem>> -> memref<1x128x128xf32, #tpu.memory_space<vmem>>
      %dma_start3A_159 = tpu.memref_squeeze %dma_start3A_158 : memref<1x128x128xf32, #tpu.memory_space<vmem>> -> memref<128x128xf32, #tpu.memory_space<vmem>>
      %dma_start3A_160 = arith.constant 0 : i32
      %dma_start3A_161 = tpu.memref_slice %arg5[%add3A_154, %dma_start3A_160] : memref<131072x128xf32, #tpu.memory_space<hbm>> -> memref<128x128xf32, #tpu.memory_space<hbm>>
      %dma_start3A_162 = arith.constant 0 : i32
      %dma_start3A_163 = tpu.memref_slice %arg5[%add3A_154, %dma_start3A_162] : memref<131072x128xf32, #tpu.memory_space<hbm>> -> memref<128x128xf32, #tpu.memory_space<hbm>>
      %dma_start3A_164 = arith.constant 0 : i32
      %dma_start3A_165 = arith.constant 0 : i32
      %dma_start3A_166 = tpu.memref_slice %arg7[%dma_start3A_155, %dma_start3A_164, %dma_start3A_165] : memref<2x128x128xf32, #tpu.memory_space<vmem>> -> memref<1x128x128xf32, #tpu.memory_space<vmem>>
      %dma_start3A_167 = tpu.memref_squeeze %dma_start3A_166 : memref<1x128x128xf32, #tpu.memory_space<vmem>> -> memref<128x128xf32, #tpu.memory_space<vmem>>
      tpu.enqueue_dma source(%dma_start3A_167 : memref<128x128xf32, #tpu.memory_space<vmem>>) target(%dma_start3A_163 : memref<128x128xf32, #tpu.memory_space<hbm>>) target_semaphore(%arg13 : memref<!tpu.dma_semaphore, #tpu.memory_space<semaphore_mem>>)
    }
    %scan3A_40 = arith.constant 16 : i32
    %add3A_41 = arith.constant 3840 : i32
    %add3A_42 = arith.addi %mul3A_2, %add3A_41 : i32
    %dma_wait3A = arith.constant 0 : i32
    %dma_wait3A_43 = arith.constant 0 : i32
    %dma_wait3A_44 = arith.constant 0 : i32
    %dma_wait3A_45 = tpu.memref_slice %arg7[%dma_wait3A, %dma_wait3A_43, %dma_wait3A_44] : memref<2x128x128xf32, #tpu.memory_space<vmem>> -> memref<1x128x128xf32, #tpu.memory_space<vmem>>
    %dma_wait3A_46 = tpu.memref_squeeze %dma_wait3A_45 : memref<1x128x128xf32, #tpu.memory_space<vmem>> -> memref<128x128xf32, #tpu.memory_space<vmem>>
    %dma_wait3A_47 = arith.constant 0 : i32
    %dma_wait3A_48 = tpu.memref_slice %arg5[%add3A_42, %dma_wait3A_47] : memref<131072x128xf32, #tpu.memory_space<hbm>> -> memref<128x128xf32, #tpu.memory_space<hbm>>
    %dma_wait3A_49 = arith.constant 0 : i32
    %dma_wait3A_50 = tpu.memref_slice %arg5[%add3A_42, %dma_wait3A_49] : memref<131072x128xf32, #tpu.memory_space<hbm>> -> memref<128x128xf32, #tpu.memory_space<hbm>>
    %dma_wait3A_51 = arith.constant 0 : i32
    %dma_wait3A_52 = arith.constant 0 : i32
    %dma_wait3A_53 = tpu.memref_slice %arg7[%dma_wait3A, %dma_wait3A_51, %dma_wait3A_52] : memref<2x128x128xf32, #tpu.memory_space<vmem>> -> memref<1x128x128xf32, #tpu.memory_space<vmem>>
    %dma_wait3A_54 = tpu.memref_squeeze %dma_wait3A_53 : memref<1x128x128xf32, #tpu.memory_space<vmem>> -> memref<128x128xf32, #tpu.memory_space<vmem>>
    tpu.wait_dma2 semaphore(%arg12 : memref<!tpu.dma_semaphore, #tpu.memory_space<semaphore_mem>>) src(%dma_wait3A_54 : memref<128x128xf32, #tpu.memory_space<vmem>>) dst(%dma_wait3A_50 : memref<128x128xf32, #tpu.memory_space<hbm>>)
    %add3A_55 = arith.constant 3968 : i32
    %add3A_56 = arith.addi %mul3A_2, %add3A_55 : i32
    %dma_wait3A_57 = arith.constant 1 : i32
    %dma_wait3A_58 = arith.constant 0 : i32
    %dma_wait3A_59 = arith.constant 0 : i32
    %dma_wait3A_60 = tpu.memref_slice %arg7[%dma_wait3A_57, %dma_wait3A_58, %dma_wait3A_59] : memref<2x128x128xf32, #tpu.memory_space<vmem>> -> memref<1x128x128xf32, #tpu.memory_space<vmem>>
    %dma_wait3A_61 = tpu.memref_squeeze %dma_wait3A_60 : memref<1x128x128xf32, #tpu.memory_space<vmem>> -> memref<128x128xf32, #tpu.memory_space<vmem>>
    %dma_wait3A_62 = arith.constant 0 : i32
    %dma_wait3A_63 = tpu.memref_slice %arg5[%add3A_56, %dma_wait3A_62] : memref<131072x128xf32, #tpu.memory_space<hbm>> -> memref<128x128xf32, #tpu.memory_space<hbm>>
    %dma_wait3A_64 = arith.constant 0 : i32
    %dma_wait3A_65 = tpu.memref_slice %arg5[%add3A_56, %dma_wait3A_64] : memref<131072x128xf32, #tpu.memory_space<hbm>> -> memref<128x128xf32, #tpu.memory_space<hbm>>
    %dma_wait3A_66 = arith.constant 0 : i32
    %dma_wait3A_67 = arith.constant 0 : i32
    %dma_wait3A_68 = tpu.memref_slice %arg7[%dma_wait3A_57, %dma_wait3A_66, %dma_wait3A_67] : memref<2x128x128xf32, #tpu.memory_space<vmem>> -> memref<1x128x128xf32, #tpu.memory_space<vmem>>
    %dma_wait3A_69 = tpu.memref_squeeze %dma_wait3A_68 : memref<1x128x128xf32, #tpu.memory_space<vmem>> -> memref<128x128xf32, #tpu.memory_space<vmem>>
    tpu.wait_dma2 semaphore(%arg13 : memref<!tpu.dma_semaphore, #tpu.memory_space<semaphore_mem>>) src(%dma_wait3A_69 : memref<128x128xf32, #tpu.memory_space<vmem>>) dst(%dma_wait3A_65 : memref<128x128xf32, #tpu.memory_space<hbm>>)
    return
  }
}

</mosaic_0001>

<sc_bundles>
// kernel: kernel.3.cloned.1.call-start
scs
__scs_entry_jumppad:
0x0: {  	(pc) =	sbr.rel $0x88, $3  }
0x1: {  	(tag) =	ssettag $0x0;
	lr =	simm.s32 $0x1  }
0x2: {  	[smem:$0x3F9F] =	sst lr;
	_ =	strace $0xD0000000  }
0x3: {  	_ = 	snop  }
0x4: {  	_ = 	snop  }
0x5: {  	_ = 	snop  }
0x6: {  	_ = 	snop  }
0x7: {  	_ = 	snop  }
__scs_overlays_trampoline_lowered:
0x8: {  	[smem:$0x3FAE] =	sst s0  }
0x9: {  	[smem:$0x3FAF] =	sst s1  }
0xa: {  	[smem:$0x3FB0] =	sst s2  }
0xb: {  	[smem:$0x3FB1] =	sst s3  }
0xc: {  	[smem:$0x3FB2] =	sst s4  }
0xd: {  	[smem:$0x3FB3] =	sst s5  }
0xe: {  	[smem:$0x3FB4] =	sst s6  }
0xf: {  	[smem:$0x3FB5] =	sst s7  }
0x10: {  	[smem:$0x3FB6] =	sst s8  }
0x11: {  	[smem:$0x3FB7] =	sst s9;
	s0 =	simm.s32 @!p0 $0x0  }
0x12: {  	s1 =	sld [smem:$0x3F9D];
	s0 =	simm.s32 @p0 $0x1  }
0x13: {  	[smem:$0x3FB8] =	sst s0;
	s0 =	simm.s32 @!p1 $0x0  }
0x14: {  	s2 =	sld [smem:$0x3F9C];
	s0 =	simm.s32 @p1 $0x1  }
0x15: {  	[smem:$0x3FB9] =	sst s0;
	s0 =	simm.s32 @!p2 $0x0  }
0x16: {  	s3 =	sld [smem:$0x3FDB];
	s0 =	simm.s32 @p2 $0x1  }
0x17: {  	s4 =	simm.s32 $0x1BF5;
	[smem:$0x3FBB] =	sst s0  }
0x18: {  	s0 =	sld [smem:$0x3F9E];
	_ =	swait.ge [sflag:s4], $0x0  }
0x19: {  	s7 =	sld [smem:$0x3F9F]  }
0x1a: {  	s8 =	sadd.s32 $0xFFFFE003, lr  }
0x1b: {  	s9 =	sadd.s32 $0xFFFFFEF7, lr;
	s5 =	simm.s32 $0xFFFFFFFF;
	p2 =	slt.u32 s8, $0xFFFFF086  }
0x1c: {  	p1 =	slt.u32 s9, $0xF7A;
	s5 =	simm.s32 @!p2 $0x0  }
0x1d: {  	s5 =	simm.s32 @p1 $0x1;
	p0 =	seq.s32 s7, s2  }
0x1e: {  	s7 =	smul.u32 @!p0 $0xF7A, s2;
	p2 =	seq.s32 @!p0 s5, $0x0  }
0x1f: {  	s9 =	smul.u32 $0xF7A, s1;
	s8 =	simm.s32 @!p0 $0x1BF5;
	p2 =	por !p2, p0  }
0x20: {  	[sflag:s8] =	ssyncset.s32 @!p0 $0xFFFFF086;
	s6 =	sadd.s32 @!p0 s3, s7;
	s7 =	simm.s32 @!p0 $0x108  }
0x21: {  	s3 =	sadd.s32 s3, s9;
	s6 =	sadd.s32 @!p0 $0x88, s6;
	s7 =	simm.s32 @p2 $0x1082  }
0x22: {  	[simem:s7], [sflag:s8] =	dma.local @!p0 [hbm:s6], $0xF7A  }
0x23: {  	s9 =	sor.u32 $0xD0000000, s2;
	s6 =	simm.s32 $0x108;
	_ =	swait.ge @!p0 [sflag:s8], $0x0  }
0x24: {  	s3 =	sadd.s32 $0x88, s3;
	s6 =	simm.s32 @!p1 $0x1082;
	[sflag:s4] =	ssyncset.s32 $0xFFFFF086  }
0x25: {  	[simem:s6], [sflag:s4] =	dma.local [hbm:s3], $0xF7A  }
0x26: {  	[smem:$0x3F9F] =	sst s1;
	(tag) =	ssettag s2;
	_ =	strace s9  }
0x27: {  	s1 =	sld [smem:$0x3FAF]  }
0x28: {  	s2 =	sld [smem:$0x3FB0]  }
0x29: {  	s4 =	sld [smem:$0x3FB2]  }
0x2a: {  	p0 =	seq.s32 s5, $0x0;
	s5 =	sld [smem:$0x3FB3]  }
0x2b: {  	s6 =	sld [smem:$0x3FB4]  }
0x2c: {  	s7 =	sld [smem:$0x3FB5]  }
0x2d: {  	s3 =	simm.s32 $0x108;
	s8 =	sld [smem:$0x3FB6]  }
0x2e: {  	s3 =	simm.s32 @!p0 $0x1082;
	s9 =	sld [smem:$0x3FB7]  }
0x2f: {  	lr =	sadd.s32 s0, s3;
	s0 =	sld [smem:$0x3FAE]  }
0x30: {  	s3 =	sld [smem:$0x3FB1]  }
0x31: {  	[smem:$0x3FBA] =	sst s10  }
0x32: {  	s10 =	sld [smem:$0x3FB8];
	_ =	sdelay $0x3  }
0x33: {  	p0 =	seq.s32 s10, $0x1;
	s10 =	sld [smem:$0x3FBA];
	_ =	sdelay $0x3  }
0x34: {  	[smem:$0x3FBA] =	sst s10  }
0x35: {  	s10 =	sld [smem:$0x3FB9];
	_ =	sdelay $0x3  }
0x36: {  	p1 =	seq.s32 s10, $0x1;
	s10 =	sld [smem:$0x3FBA];
	_ =	sdelay $0x3  }
0x37: {  	[smem:$0x3FBA] =	sst s10  }
0x38: {  	s10 =	sld [smem:$0x3FBB]  }
0x39: {  	_ = 	snop;
	(pc) =	sbr.ind lr, $3  }
0x3a: {  	_ = 	snop  }
0x3b: {  	_ = 	snop  }
0x3c: {  	p2 =	seq.s32 s10, $0x1;
	s10 =	sld [smem:$0x3FBA]  }
0x3d: {  	_ =	shalt  }
0x3e: {  	_ =	shalt  }
0x3f: {  	_ =	shalt  }
0x40: {  	_ =	shalt  }
0x41: {  	_ =	shalt  }
0x42: {  	_ =	shalt  }
0x43: {  	_ =	shalt  }
0x44: {  	_ =	shalt  }
0x45: {  	_ =	shalt  }
0x46: {  	_ =	shalt  }
0x47: {  	_ =	shalt  }
0x48: {  	_ =	shalt  }
0x49: {  	_ =	shalt  }
0x4a: {  	_ =	shalt  }
0x4b: {  	_ =	shalt  }
0x4c: {  	_ =	shalt  }
0x4d: {  	_ =	shalt  }
0x4e: {  	_ =	shalt  }
0x4f: {  	_ =	shalt  }
0x50: {  	_ =	shalt  }
0x51: {  	_ =	shalt  }
0x52: {  	_ =	shalt  }
0x53: {  	_ =	shalt  }
0x54: {  	_ =	shalt  }
0x55: {  	_ =	shalt  }
0x56: {  	_ =	shalt  }
0x57: {  	_ =	shalt  }
0x58: {  	_ =	shalt  }
0x59: {  	_ =	shalt  }
0x5a: {  	_ =	shalt  }
0x5b: {  	_ =	shalt  }
0x5c: {  	_ =	shalt  }
0x5d: {  	_ =	shalt  }
0x5e: {  	_ =	shalt  }
0x5f: {  	_ =	shalt  }
0x60: {  	_ =	shalt  }
0x61: {  	_ =	shalt  }
0x62: {  	_ =	shalt  }
0x63: {  	_ =	shalt  }
0x64: {  	_ =	shalt  }
0x65: {  	_ =	shalt  }
0x66: {  	_ =	shalt  }
0x67: {  	_ =	shalt  }
0x68: {  	_ =	shalt  }
0x69: {  	_ =	shalt  }
0x6a: {  	_ =	shalt  }
0x6b: {  	_ =	shalt  }
0x6c: {  	_ =	shalt  }
0x6d: {  	_ =	shalt  }
0x6e: {  	_ =	shalt  }
0x6f: {  	_ =	shalt  }
0x70: {  	_ =	shalt  }
0x71: {  	_ =	shalt  }
0x72: {  	_ =	shalt  }
0x73: {  	_ =	shalt  }
0x74: {  	_ =	shalt  }
0x75: {  	_ =	shalt  }
0x76: {  	_ =	shalt  }
0x77: {  	_ =	shalt  }
0x78: {  	_ =	shalt  }
0x79: {  	_ =	shalt  }
0x7a: {  	_ =	shalt  }
0x7b: {  	_ =	shalt  }
0x7c: {  	_ =	shalt  }
0x7d: {  	_ =	shalt  }
0x7e: {  	_ =	shalt  }
0x7f: {  	_ =	shalt  }
0x80: {  	_ =	shalt  }
0x81: {  	_ =	shalt  }
0x82: {  	_ =	shalt  }
0x83: {  	_ =	shalt  }
0x84: {  	_ =	shalt  }
0x85: {  	_ =	shalt  }
0x86: {  	_ =	shalt  }
0x87: {  	_ =	shalt  }
.Lfunc_end0:
.L_simem_size_0:
called_computation_lowered:
.L_overlay_start_0:
0x88: {  	s2 =	sld [smem:$0x3FD9]  }
0x89: {  	s3 =	sld [smem:$0x3FFE];
	_ =	sdelay $0x1  }
0x8a: {  	s1 =	srdreg.scid  }
0x8b: {  	s0 =	sand.u32 $0x1, s1  }
0x8c: {  	s17 =	sshll.u32 s0, $0xA;
	s2 =	sadd.s32 s3, s2  }
0x8d: {  	s2 =	sadd.s32 s2, s17  }
0x8e: {  	[smem:$0x3FC6] =	sst s2  }
0x8f: {  	_ = 	snop  }
0x90: {  	s2 =	sld [smem:$0x3FC9]  }
0x91: {  	s18 =	sld [smem:$0x3FD0];
	(tm) =	ssettm $0x1  }
0x92: {  	s4 =	sld [smem:$0x3FFB];
	_ =	sdelay $0x3  }
0x93: {  	_ =	strace s4  }
0x94: {  	s4 =	sld [smem:$0x3FFC];
	_ =	sdelay $0x3  }
0x95: {  	_ =	strace s4  }
0x96: {  	s4 =	sld [smem:$0x3FFD];
	_ =	sdelay $0x3  }
0x97: {  	_ =	strace s4  }
0x98: {  	_ =	strace $0x8FFFFFFF  }
0x99: {  	s19 =	sld [smem:$0x3FDB];
	_ =	sdelay $0x1  }
0x9a: {  	s5 =	simm.s32 $_scs_section_size  }
0x9b: {  	s6 =	simm.s32 $_size__tile_overlayer_lowered;
	s7 =	simm.s32 $_tile_overlayer_lowered  }
0x9c: {  	s22 =	simm.s32 $0x1BFF;
	s21 =	sshll.u32 s7, $0x1;
	s4 =	sadd.s32 s5, s19  }
0x9d: {  	s8 =	simm.s32 $0x0;
	s20 =	sshll.u32 s6, $0x1;
	s6 =	sadd.s32 s21, s4  }
0x9e: {  	[timem:s8], [sflag:s22] =	dma.local [hbm:s6], s20  }
0x9f: {  	_ =	swait.ge [sflag:s22], s20  }
0xa0: {  	s5 =	ssub.s32 $0x0, s20;
	[sflag:s22] =	ssyncset.done $0x0  }
0xa1: {  	[sflag:s22] =	ssyncadd.s32 s5;
	_ =	sdelay $0x1  }
0xa2: {  	s23 =	simm.s32 $0x1B8B  }
0xa3: {  	_ =	swait.ge [sflag:s23], $0x1  }
0xa4: {  	[sflag:s23] =	ssyncset.done $0x0  }
0xa5: {  	s25 =	simm.s32 $0x1B8E;
	s24 =	sld [smem:$0x3FFE];
	[sflag:s23] =	ssyncadd.s32 $0xFFFFFFFF  }
0xa6: {  	s26 =	simm.s32 $execute0_lowered;
	[smem:$0x3FD2] =	sst s25  }
0xa7: {  	s6 =	sshll.u32 s26, $0x1;
	_ =	strace $0x80000046;
	[dreg:$0x1] =	wrdreg $0xFFFFFFFF  }
0xa8: {  	s28 =	simm.s32 $_size_execute0_lowered;
	s4 =	sadd.s32 s4, s6;
	[dreg:$0x0] =	wrdreg $0x0  }
0xa9: {  	s6 =	sshll.u32 s28, $0x1;
	[dreg:$0x2] =	wrdreg s4  }
0xaa: {  	[dreg:$0x3] =	wrdreg s6  }
0xab: {  	[dreg:$0x4] =	wrdreg $0xC0  }
0xac: {  	_ =	task [dreg:s8], $0x5FFFF  }
0xad: {  	[dreg:$0x1] =	wrdreg $0xFFFFFFFF  }
0xae: {  	[dreg:$0x0] =	wrdreg $0x60  }
0xaf: {  	[dreg:$0x2] =	wrdreg s2  }
0xb0: {  	[dreg:$0x3] =	wrdreg s24  }
0xb1: {  	[dreg:$0x4] =	wrdreg s18  }
0xb2: {  	[dreg:$0x5] =	wrdreg $0x9  }
0xb3: {  	_ =	task.clear_ibuf [dreg:s8], $0x6FFFF;
	_ =	strace $0x90000046  }
0xb4: {  	s29 =	simm.s32 $0x9;
	_ =	strace $0x80000048  }
0xb5: {  	_ =	swait.ge [sflag:s29], $0x1  }
0xb6: {  	[sflag:s29] =	ssyncadd.s32 $0xFFFFFFFF  }
0xb7: {  	_ =	strace $0x90000048  }
0xb8: {  	_ =	sfence  }
0xb9: {  	s30 =	sld [smem:$0x0];
	_ =	sdelay $0x2  }
0xba: {  	s31 =	sshll.u32 s1, $0xD;
	s1 =	sshrl.u32 s1, $0x2  }
0xbb: {  	s3 =	sand.u32 $0x4000, s31;
	s1 =	sadd.s32 s1, s30  }
0xbc: {  	s0 =	sor.u32 s3, s0;
	s1 =	sshll.u32 s1, $0x11  }
0xbd: {  	s0 =	sor.u32 s1, s0  }
0xbe: {  	s0 =	sadd.s32 $0x8F2B, s0  }
0xbf: {  	[sflag:s0] =	ssyncadd.remote.s32 $0x1  }
0xc0: {  	_ =	sfence.sel $0xFFFF  }
0xc1: {  	[dreg:$0x0] =	wrdreg $0xFFFFFFFF;
	(pc) =	sbr.abs _section_cstart, $3  }
0xc2: {  	[dreg:$0x1] =	wrdreg $0xFFFFFFFF  }
0xc3: {  	_ =	task.clear_ibuf [dreg:s8], $0x2FFFF;
	_ =	strace $0x9FFFFFFF  }
0xc4: {  	(tm) =	ssettm $0x7FFFFFFF  }
0xc5: {  	_ =	shalt  }
tec
execute0_lowered:
.L_overlay_start_1:
0x0: {  	(tag) =	ssettag $0x1  }
0x1: {  	s0 =	rddreg [dreg:$0x0]  }
0x2: {  	s1 =	rddreg [dreg:$0x1]  }
0x3: {  	s3 =	rddreg [dreg:$0x2]  }
0x4: {  	s2 =	simm.s32 $0x0;
	s4 =	srdreg.scid;
	s5 =	stileid.u32  }
0x5: {  	s16 =	simm.s32 $0x1;
	s18 =	simm.s32 $0x2;
	[smem:$0x7FF] =	sst s2  }
0x6: {  	s4 =	sand.u32 $0x1, s4;
	s5 =	sshll.u32 s5, $0x11;
	s7 =	sadd.s32 $0x800, s1  }
0x7: {  	s1 =	sadd.s32 $0x600, s1;
	_ =	strace $0x80000047;
	s6 =	sshll.u32 s4, $0x10  }
0x8: {  	[dreg:$0x4] =	wrdreg s7;
	s4 =	ssub.s32 $0x2, s4;
	s5 =	sor.u32 s6, s5  }
0x9: {  	[dreg:$0x5] =	wrdreg s1;
	s28 =	sshrl.u32 s4, $0x1;
	s6 =	sadd.s32 s0, s5  }
0xa: {  	s29 =	ssub.s32 s4, s28;
	s30 =	sadd.s32 $0x800, s6;
	[dreg:$0x6] =	wrdreg s6  }
0xb: {  	s8 =	sadd.s32 s3, s5;
	s31 =	sadd.s32 $0x1000, s6;
	[dreg:$0x7] =	wrdreg s30  }
0xc: {  	s3 =	simm.s32 $0x0;
	s0 =	smax.u32 s29, $0x1;
	[dreg:$0x8] =	wrdreg s31  }
0xd: {  	s9 =	sadd.s32 $0x1800, s6;
	s11 =	sadd.s32 $0x800, s8;
	[dreg:$0x9] =	wrdreg s0  }
.LBB2_1:
0xe: {  	[dreg:$0xa] =	wrdreg s3  }
0xf: {  	s0 =	rddreg [dreg:$0x4];
	s1 =	simm.s32 $0x10000;
	s25 =	simm.s32 $0x5  }
0x10: {  	[tilespmem:s1], [sflag:$0x5] =	stream.linear.gather [hbm4b:s0+s2], $0x80, $0x38;
	[tilespmem:$0x10100] =	vst v63  }
0x11: {  	_ =	swait.ge [sflag:s25], $0x80  }
0x12: {  	[sflag:s25] =	ssyncset.done $0x0  }
0x13: {  	s28 =	simm.s32 $0x10080;
	s26 =	rddreg [dreg:$0x5];
	[sflag:s25] =	ssyncadd.s32 $0xFFFFFF80  }
0x14: {  	[tilespmem:s28], [sflag:$0x5] =	stream.linear.gather [hbm4b:s26+s2], $0x80, $0x38;
	[tilespmem:$0x10100] =	vst v63  }
0x15: {  	_ =	swait.ge [sflag:s25], $0x80  }
0x16: {  	[sflag:s25] =	ssyncset.done $0x0  }
0x17: {  	[sflag:s25] =	ssyncadd.s32 $0xFFFFFF80  }
0x18: {  	s29 =	rddreg [dreg:$0x6];
	v0 =	vld [tilespmem:$0x10000]  }
0x19: {  	v1 =	vld [tilespmem:$0x10080];
	[tilespmem:s2], [sflag:$0x1] =	stream.linear.gather [hbm4b:s29+s2], $0x4000, $0x38  }
0x1a: {  	s31 =	simm.s32 $0x4000;
	s23 =	simm.s32 $0x0;
	s30 =	rddreg [dreg:$0x7]  }
0x1b: {  	[tilespmem:s31], [sflag:$0x2] =	stream.linear.gather [hbm4b:s30+s2], $0x4000, $0x38;
	[tilespmem:$0x10100] =	vst v63  }
.LBB2_2:
0x1c: {  	_ =	swait.ge [sflag:s16], $0x4000  }
0x1d: {  	p1 =	seq.s32 s23, $0x0;
	[sflag:s16] =	ssyncset.done $0x0  }
0x1e: {  	s0 =	simm.s32 @!p1 $0x3;
	[sflag:s16] =	ssyncadd.s32 $0xFFFFC000  }
0x1f: {  	_ =	swait.ge @!p1 [sflag:s0], $0x4000  }
0x20: {  	[sflag:s0] =	ssyncset.done @!p1 $0x0  }
0x21: {  	s29 =	simm.s32 $0x30;
	[sflag:s0] =	ssyncadd.s32 @!p1 $0xFFFFC000  }
0x22: {  	v2 =	vld [tilespmem:s29+$0x10]  }
0x23: {  	v3 =	vld [tilespmem:s29+$0xFFFFFFE0];
	_ =	sdelay $0x2  }
0x24: {  	v4 =	vld [tilespmem:s29+$0x20]  }
0x25: {  	v5 =	vld [tilespmem:s29+$0x0];
	v2 =	vsub.f32 $-2.197224620e+00, v2  }
0x26: {  	v3 =	vsub.f32 $-2.197224620e+00, v3  }
0x27: {  	v6 =	vld [tilespmem:s29+$0xFFFFFFF0];
	v2 =	vmul.f32 $1.442695020e+00, v2  }
0x28: {  	v3 =	vmul.f32 $1.442695020e+00, v3  }
0x29: {  	v4 =	vsub.f32 $-2.197224620e+00, v4;
	(erf) = vpow2.f32 v2  }
0x2a: {  	v5 =	vsub.f32 $-2.197224620e+00, v5;
	(erf) = vpow2.f32 v3  }
0x2b: {  	v2 =	vmul.f32 $1.442695020e+00, v4;
	v4 =	vld [tilespmem:s29+$0xFFFFFFD0]  }
0x2c: {  	v3 =	vmul.f32 $1.442695020e+00, v5;
	v5 =	vsub.f32 $-2.197224620e+00, v6  }
0x2d: {  	(erf) = vpow2.f32 v2  }
0x2e: {  	v2 =	vmul.f32 $1.442695020e+00, v5  }
0x2f: {  	(erf) = vpow2.f32 v3  }
0x30: {  	(erf) = vpow2.f32 v2;
	v2 =	vsub.f32 $-2.197224620e+00, v4;
	_ =	sdelay $0x1  }
0x31: {  	v2 =	vmul.f32 $1.442695020e+00, v2;
	v3 =	vpop (erf)  }
0x32: {  	v4 =	vpop (erf)  }
0x33: {  	s30 =	simm.s32 $0x90;
	v4 =	vadd.f32 $1.111111120e-01, v4  }
0x34: {  	v7 =	vld [tilespmem:s30+$0x20]  }
0x35: {  	v5 =	vld [tilespmem:s30+$0x10];
	(erf) = vpow2.f32 v2;
	v2 =	vpop (erf)  }
0x36: {  	s31 =	simm.s32 $0xF0;
	v6 =	vld [tilespmem:s30+$0xFFFFFFE0];
	v3 =	vadd.f32 $1.111111120e-01, v3;
	v2 =	vadd.f32 $1.111111120e-01, v2  }
0x37: {  	v15 =	vld [tilespmem:s31+$0xFFFFFFE0];
	(erf) = vrcp.f32 v4;
	v4 =	vpop (erf)  }
0x38: {  	v16 =	vld [tilespmem:s31+$0x10];
	(erf) = vrcp.f32 v3;
	v3 =	vadd.f32 $1.111111120e-01, v4  }
0x39: {  	v19 =	vld [tilespmem:s31+$0x20];
	(erf) = vrcp.f32 v2  }
0x3a: {  	v22 =	vld [tilespmem:s31+$0xFFFFFFF0];
	v2 =	vpop (erf);
	(erf) = vrcp.f32 v3;
	v3 =	vsub.f32 $-2.197224620e+00, v5  }
0x3b: {  	v4 =	vld [tilespmem:s30+$0x0];
	v2 =	vadd.f32 $1.111111120e-01, v2;
	v5 =	vsub.f32 $-2.197224620e+00, v6  }
0x3c: {  	v15 =	vsub.f32 $-2.197224620e+00, v15;
	v6 =	vsub.f32 $-2.197224620e+00, v7;
	v7 =	vld [tilespmem:s30+$0xFFFFFFD0];
	v3 =	vmul.f32 $1.442695020e+00, v3  }
0x3d: {  	(erf) = vrcp.f32 v2;
	v2 =	vld [tilespmem:s30+$0xFFFFFFF0];
	v5 =	vmul.f32 $1.442695020e+00, v5  }
0x3e: {  	v16 =	vsub.f32 $-2.197224620e+00, v16;
	v19 =	vsub.f32 $-2.197224620e+00, v19;
	v15 =	vmul.f32 $1.442695020e+00, v15  }
0x3f: {  	v22 =	vsub.f32 $-2.197224620e+00, v22;
	v6 =	vmul.f32 $1.442695020e+00, v6;
	(erf) = vpow2.f32 v3  }
0x40: {  	v16 =	vmul.f32 $1.442695020e+00, v16;
	v4 =	vsub.f32 $-2.197224620e+00, v4;
	v3 =	vpop (erf);
	(erf) = vpow2.f32 v5  }
0x41: {  	v58 =	vmul.f32 $1.442695020e+00, v19;
	v62 =	vmul.f32 $1.442695020e+00, v22;
	v5 =	vpop (erf)  }
0x42: {  	v4 =	vmul.f32 $1.442695020e+00, v4;
	v7 =	vsub.f32 $-2.197224620e+00, v7;
	v2 =	vsub.f32 $-2.197224620e+00, v2;
	v8 =	vpop (erf)  }
0x43: {  	v3 =	vadd.f32 $1.111111120e-01, v3;
	(erf) = vpow2.f32 v6;
	v9 =	vtrunc.f32 v5;
	v6 =	vpop (erf)  }
0x44: {  	v2 =	vmul.f32 $1.442695020e+00, v2;
	v10 =	vpop (erf);
	(erf) = vpow2.f32 v4  }
0x45: {  	v7 =	vmul.f32 $1.442695020e+00, v7;
	v9 =	vcvt.f32.s32 v9  }
0x46: {  	v11 =	vtrunc.f32 v8;
	v14 =	vtrunc.f32 v6  }
0x47: {  	v11 =	vcvt.f32.s32 v11;
	(erf) = vrcp.f32 v3;
	v3 =	vpop (erf)  }
0x48: {  	v4 =	vtrunc.f32 v10;
	(erf) = vpow2.f32 v2;
	v2 =	vpop (erf)  }
0x49: {  	v9 =	vand.u32 $0xF, v9;
	v14 =	vcvt.f32.s32 v14;
	v12 =	vtrunc.f32 v3;
	v13 =	vpop (erf)  }
0x4a: {  	v4 =	vcvt.f32.s32 v4;
	v17 =	vperm.xlane v1, v9;
	v13 =	vadd.f32 $1.111111120e-01, v13  }
0x4b: {  	v57 =	vld [tilespmem:s31+$0x0];
	v12 =	vcvt.f32.s32 v12;
	v2 =	vadd.f32 $1.111111120e-01, v2;
	(erf) = vpow2.f32 v7  }
0x4c: {  	v14 =	vand.u32 $0xF, v14;
	v4 =	vand.u32 $0xF, v4;
	v7 =	vpop (erf);
	(erf) = vrcp.f32 v13  }
0x4d: {  	v7 =	vadd.f32 $1.111111120e-01, v7;
	v13 =	vperm.xlane v0, v4;
	v18 =	vpop (erf);
	(erf) = vrcp.f32 v2  }
0x4e: {  	v2 =	vand.u32 $0xF, v12;
	v12 =	vperm.xlane v1, v4;
	v4 =	vadd.f32 $1.111111120e-01, v18  }
0x4f: {  	v24 =	vperm.xlane v1, v14;
	(erf) = vrcp.f32 v7  }
0x50: {  	v17 =	vmul.f32 v5, v17;
	v5 =	vsub.f32 $-2.197224620e+00, v57;
	v20 =	vpop (erf);
	(erf) = vrcp.f32 v4  }
0x51: {  	v9 =	vperm.xlane v0, v9;
	v14 =	vperm.xlane v0, v14  }
0x52: {  	v11 =	vand.u32 $0xF, v11;
	v59 =	vmul.f32 $1.442695020e+00, v5;
	v6 =	vmul.f32 v6, v24;
	v23 =	vpop (erf)  }
0x53: {  	v7 =	vperm.xlane v1, v11;
	v21 =	vperm.xlane v0, v2;
	v23 =	vadd.f32 $1.111111120e-01, v23  }
0x54: {  	v2 =	vperm.xlane v1, v2;
	v4 =	vtrunc.f32 v20  }
0x55: {  	v7 =	vmul.f32 v8, v7;
	(erf) = vrcp.f32 v23;
	v8 =	vpop (erf)  }
0x56: {  	v11 =	vperm.xlane v0, v11;
	v5 =	vpop (erf);
	(erf) = vpow2.f32 v16  }
0x57: {  	v17 =	vadd.f32 v17, v9;
	v60 =	vcvt.f32.s32 v4;
	v4 =	vpop (erf);
	(erf) = vpow2.f32 v15  }
0x58: {  	v14 =	vadd.f32 v6, v14;
	v10 =	vmul.f32 v10, v12;
	v16 =	vmul.f32 v3, v2;
	v2 =	vpop (erf)  }
0x59: {  	v26 =	vld [tilespmem:s31+$0xFFFFFFD0];
	v15 =	vand.u32 $0xF, v60;
	v61 =	vtrunc.f32 v5;
	v3 =	vpop (erf);
	(erf) = vpow2.f32 v58  }
0x5a: {  	v8 =	vadd.f32 $1.111111120e-01, v8;
	v25 =	vperm.xlane v1, v15;
	(erf) = vpow2.f32 v59  }
0x5b: {  	s1 =	simm.s32 $0x8030;
	v16 =	vadd.f32 v16, v21;
	v12 =	vcvt.f32.s32 v61;
	v63 =	vperm.xlane v0, v15  }
0x5c: {  	[tilespmem:s1+$0xFFFFFFE0] =	vst v17;
	v7 =	vadd.f32 v7, v11;
	v9 =	vtrunc.f32 v4;
	v17 =	vmul.f32 v20, v25  }
0x5d: {  	[tilespmem:s1+$0x20] =	vst v14;
	v11 =	vtrunc.f32 v3;
	(erf) = vrcp.f32 v8  }
0x5e: {  	[tilespmem:s1+$0x10] =	vst v7;
	v8 =	vadd.f32 v10, v13;
	v6 =	vpop (erf);
	v10 =	vsub.f32 $-2.197224620e+00, v26;
	(erf) = vpow2.f32 v62  }
0x5f: {  	[tilespmem:s1+$0xFFFFFFF0] =	vst v16;
	v7 =	vand.u32 $0xF, v12;
	v13 =	vcvt.f32.s32 v11;
	v12 =	vtrunc.f32 v6;
	v16 =	vpop (erf)  }
0x60: {  	s24 =	sshll.u32 s23, $0xC;
	s4 =	simm.s32 $0xC;
	v15 =	vmul.f32 $1.442695020e+00, v10;
	v10 =	vtrunc.f32 v2;
	[tilespmem:s1+$0x0] =	vst v8;
	v8 =	vadd.f32 v17, v63;
	v14 =	vpop (erf)  }
0x61: {  	s5 =	simm.s32 $0x150;
	s3 =	simm.s32 $0x8090;
	s0 =	simm.s32 $0x8090;
	v12 =	vcvt.f32.s32 v12;
	v11 =	vadd.f32 $1.111111120e-01, v16;
	v14 =	vadd.f32 $1.111111120e-01, v14  }
.LBB2_3:
0x62: {  	v16 =	vld [tilespmem:s5+$0xFFFFFFE0];
	s4 =	sadd.s32 $0x6, s4;
	(erf) = vpow2.f32 v15;
	v15 =	vpop (erf);
	v13 =	vand.u32 $0xF, v13;
	v9 =	vcvt.f32.s32 v9;
	s0 =	sadd.s32 $0x60, s0  }
0x63: {  	v17 =	vld [tilespmem:s5+$0x10];
	p0 =	slt.u32 s4, $0x3F6;
	v15 =	vadd.f32 $1.111111120e-01, v15;
	(erf) = vrcp.f32 v14;
	v14 =	vpop (erf);
	v18 =	vperm.xlane v0, v13;
	[tilespmem:s1+$0xFFFFFFD0] =	vst v8;
	s1 =	smov.u32 s3;
	s3 =	smov.u32 s0  }
0x64: {  	v19 =	vperm.xlane v1, v7;
	v10 =	vcvt.f32.s32 v10;
	v8 =	vld [tilespmem:s5+$0xFFFFFFD0];
	v9 =	vand.u32 $0xF, v9  }
0x65: {  	v20 =	vld [tilespmem:s5+$0x20];
	(erf) = vrcp.f32 v11;
	v11 =	vand.u32 $0xF, v12;
	v12 =	vperm.xlane v1, v13  }
0x66: {  	v14 =	vadd.f32 $1.111111120e-01, v14;
	v13 =	vld [tilespmem:s5+$0x0];
	(erf) = vrcp.f32 v15;
	v15 =	vperm.xlane v1, v9;
	v21 =	vpop (erf)  }
0x67: {  	v24 =	vperm.xlane v0, v11;
	v9 =	vperm.xlane v0, v9;
	v16 =	vsub.f32 $-2.197224620e+00, v16;
	v22 =	vld [tilespmem:s5+$0xFFFFFFF0];
	v23 =	vpop (erf)  }
0x68: {  	v23 =	vadd.f32 $1.111111120e-01, v23;
	(erf) = vrcp.f32 v14;
	v14 =	vtrunc.f32 v21  }
0x69: {  	v10 =	vand.u32 $0xF, v10;
	v11 =	vperm.xlane v1, v11;
	v17 =	vsub.f32 $-2.197224620e+00, v17  }
0x6a: {  	v25 =	vperm.xlane v1, v10;
	v16 =	vmul.f32 $1.442695020e+00, v16;
	v20 =	vsub.f32 $-2.197224620e+00, v20  }
0x6b: {  	v19 =	vmul.f32 v5, v19;
	v17 =	vmul.f32 $1.442695020e+00, v17;
	v13 =	vsub.f32 $-2.197224620e+00, v13;
	v26 =	vpop (erf)  }
0x6c: {  	v7 =	vperm.xlane v0, v7;
	v22 =	vsub.f32 $-2.197224620e+00, v22;
	v20 =	vmul.f32 $1.442695020e+00, v20;
	v5 =	vpop (erf)  }
0x6d: {  	v15 =	vmul.f32 v4, v15;
	v26 =	vadd.f32 $1.111111120e-01, v26;
	(erf) = vrcp.f32 v23  }
0x6e: {  	v14 =	vcvt.f32.s32 v14;
	v13 =	vmul.f32 $1.442695020e+00, v13;
	v4 =	vpop (erf)  }
0x6f: {  	v6 =	vmul.f32 v6, v11;
	v9 =	vadd.f32 v15, v9;
	(erf) = vpow2.f32 v17;
	v17 =	vpop (erf)  }
0x70: {  	v10 =	vperm.xlane v0, v10;
	v11 =	vand.u32 $0xF, v14;
	(erf) = vpow2.f32 v16  }
0x71: {  	v14 =	vtrunc.f32 v5;
	v16 =	vperm.xlane v1, v11;
	v15 =	vpop (erf);
	[tilespmem:s1+$0x10] =	vst v9  }
0x72: {  	v9 =	vmul.f32 v2, v25;
	v2 =	vmov v17;
	(erf) = vpow2.f32 v20  }
0x73: {  	v7 =	vadd.f32 v19, v7;
	(erf) = vpow2.f32 v13;
	v13 =	vtrunc.f32 v15  }
0x74: {  	v12 =	vmul.f32 v3, v12;
	v19 =	vadd.f32 v6, v24;
	v17 =	vmul.f32 $1.442695020e+00, v22;
	v3 =	vmovc v15  }
0x75: {  	v14 =	vcvt.f32.s32 v14;
	v20 =	vperm.xlane v0, v11;
	[tilespmem:s1+$0xFFFFFFE0] =	vst v7;
	v7 =	vadd.f32 v9, v10  }
.Ltmp0:
0x76: {  	v9 =	vtrunc.f32 v4;
	v10 =	vadd.f32 v12, v18;
	(erf) = vrcp.f32 v26;
	v6 =	vpop (erf);
	[tilespmem:s1+$0xFFFFFFF0] =	vst v19;
	(pc) =	sbr.rel @p0 .LBB2_3-.Ltmp0, $4  }
0x77: {  	v16 =	vmul.f32 v21, v16;
	v18 =	vsub.f32 $-2.197224620e+00, v8;
	(erf) = vpow2.f32 v17;
	[tilespmem:s1+$0x20] =	vst v7  }
0x78: {  	v13 =	vcvt.f32.s32 v13;
	v7 =	vand.u32 $0xF, v14;
	v12 =	vtrunc.f32 v6;
	v11 =	vpop (erf);
	[tilespmem:s1+$0x0] =	vst v10  }
0x79: {  	v15 =	vmul.f32 $1.442695020e+00, v18;
	v10 =	vtrunc.f32 v2;
	v11 =	vadd.f32 $1.111111120e-01, v11;
	v8 =	vpop (erf)  }
0x7a: {  	s5 =	sadd.s32 $0x60, s5;
	v12 =	vcvt.f32.s32 v12;
	v14 =	vadd.f32 $1.111111120e-01, v8;
	v8 =	vadd.f32 v16, v20  }
0x7b: {  	(erf) = vpow2.f32 v15  }
0x7c: {  	v32 =	vpop (erf);
	v13 =	vand.u32 $0xF, v13;
	v9 =	vcvt.f32.s32 v9;
	v36 =	vperm.xlane v1, v7  }
0x7d: {  	v10 =	vcvt.f32.s32 v10;
	v15 =	vadd.f32 $1.111111120e-01, v32;
	(erf) = vrcp.f32 v14;
	v33 =	vpop (erf)  }
0x7e: {  	v42 =	vperm.xlane v0, v7;
	(erf) = vrcp.f32 v11;
	v34 =	vadd.f32 $1.111111120e-01, v33  }
0x7f: {  	v35 =	vperm.xlane v0, v13;
	(erf) = vrcp.f32 v15  }
0x80: {  	v37 =	vand.u32 $0xF, v12;
	v38 =	vperm.xlane v1, v13;
	v16 =	vpop (erf);
	(erf) = vrcp.f32 v34  }
0x81: {  	v9 =	vand.u32 $0xF, v9;
	v18 =	vperm.xlane v0, v37;
	v11 =	vperm.xlane v1, v37  }
0x82: {  	v10 =	vand.u32 $0xF, v10;
	v5 =	vmul.f32 v5, v36;
	v17 =	vperm.xlane v1, v9;
	v39 =	vpop (erf)  }
0x83: {  	v9 =	vperm.xlane v0, v9;
	v40 =	vperm.xlane v1, v10;
	v13 =	vadd.f32 $1.111111120e-01, v39  }
0x84: {  	v10 =	vperm.xlane v0, v10;
	v19 =	vtrunc.f32 v16  }
0x85: {  	v19 =	vcvt.f32.s32 v19;
	(erf) = vrcp.f32 v13;
	v20 =	vpop (erf)  }
0x86: {  	v3 =	vmul.f32 v3, v38;
	v6 =	vmul.f32 v6, v11;
	v41 =	vpop (erf)  }
0x87: {  	v4 =	vmul.f32 v4, v17;
	v19 =	vand.u32 $0xF, v19;
	v20 =	vadd.f32 $1.111111120e-01, v20;
	v43 =	vpop (erf)  }
0x88: {  	v2 =	vmul.f32 v2, v40;
	v23 =	vperm.xlane v1, v19;
	v44 =	vpop (erf)  }
0x89: {  	v47 =	vperm.xlane v0, v19;
	v22 =	vpop (erf);
	(erf) = vrcp.f32 v20  }
0x8a: {  	v21 =	vtrunc.f32 v41;
	v16 =	vmul.f32 v16, v23  }
0x8b: {  	v5 =	vadd.f32 v5, v42;
	v46 =	vcvt.f32.s32 v21;
	v48 =	vtrunc.f32 v43  }
0x8c: {  	v3 =	vadd.f32 v3, v35;
	v19 =	vcvt.f32.s32 v48;
	v51 =	vtrunc.f32 v44  }
0x8d: {  	v45 =	vtrunc.f32 v22;
	v12 =	vand.u32 $0xF, v46;
	v21 =	vcvt.f32.s32 v51  }
0x8e: {  	v6 =	vadd.f32 v6, v18;
	v13 =	vcvt.f32.s32 v45;
	v52 =	vperm.xlane v1, v12;
	v49 =	vpop (erf)  }
0x8f: {  	v19 =	vand.u32 $0xF, v19;
	v59 =	vperm.xlane v0, v12;
	v50 =	vtrunc.f32 v49  }
0x90: {  	v4 =	vadd.f32 v4, v9;
	v25 =	vperm.xlane v1, v19;
	v20 =	vcvt.f32.s32 v50  }
0x91: {  	[tilespmem:s1+$0xFFFFFFD0] =	vst v8;
	v19 =	vperm.xlane v0, v19;
	v21 =	vand.u32 $0xF, v21;
	v56 =	vmul.f32 v41, v52  }
0x92: {  	[tilespmem:s3+$0xFFFFFFE0] =	vst v5;
	v57 =	vperm.xlane v1, v21;
	v58 =	vmul.f32 v43, v25;
	v20 =	vand.u32 $0xF, v20;
	v53 =	vpop (erf)  }
0x93: {  	v2 =	vadd.f32 v2, v10;
	[tilespmem:s3+$0x0] =	vst v3;
	v54 =	vperm.xlane v0, v20;
	v55 =	vtrunc.f32 v53  }
0x94: {  	[tilespmem:s3+$0x10] =	vst v4;
	v13 =	vand.u32 $0xF, v13;
	v20 =	vperm.xlane v1, v20;
	v4 =	vcvt.f32.s32 v55  }
0x95: {  	[tilespmem:s3+$0x20] =	vst v2;
	v2 =	vadd.f32 v16, v47;
	v60 =	vperm.xlane v0, v21;
	v24 =	vperm.xlane v1, v13  }
0x96: {  	[tilespmem:s3+$0xFFFFFFF0] =	vst v6;
	v3 =	vadd.f32 v58, v19;
	v7 =	vmul.f32 v49, v20;
	v4 =	vand.u32 $0xF, v4  }
0x97: {  	s31 =	sadd.s32 $0x60, s0;
	[tilespmem:s3+$0xFFFFFFD0] =	vst v2;
	v10 =	vmul.f32 v44, v57;
	v5 =	vadd.f32 v56, v59;
	v2 =	vperm.xlane v1, v4  }
0x98: {  	v61 =	vperm.xlane v0, v13;
	v62 =	vmul.f32 v22, v24;
	[tilespmem:s31+$0x10] =	vst v3;
	v3 =	vadd.f32 v7, v54  }
0x99: {  	[tilespmem:s31+$0xFFFFFFE0] =	vst v5;
	v63 =	vadd.f32 v10, v60;
	v4 =	vperm.xlane v0, v4;
	v2 =	vmul.f32 v53, v2  }
0x9a: {  	[tilespmem:s31+$0xFFFFFFF0] =	vst v3;
	v3 =	vadd.f32 v62, v61  }
0x9b: {  	[tilespmem:s31+$0x20] =	vst v63;
	v2 =	vadd.f32 v2, v4  }
0x9c: {  	[tilespmem:s31+$0x0] =	vst v3  }
0x9d: {  	s0 =	simm.s32 $0x0;
	[tilespmem:s31+$0xFFFFFFD0] =	vst v2  }
.LBB2_5:
0x9e: {  	s1 =	sshra.s32 s0, $0x2  }
0x9f: {  	v2 =	vld [tilespmem:s1+$0x3FC0];
	_ =	sdelay $0x4  }
0xa0: {  	v2 =	vsub.f32 $-2.197224620e+00, v2;
	_ =	sdelay $0x1  }
0xa1: {  	v2 =	vmul.f32 $1.442695020e+00, v2;
	_ =	sdelay $0x1  }
0xa2: {  	(erf) = vpow2.f32 v2;
	_ =	sdelay $0x8  }
0xa3: {  	v2 =	vpop (erf)  }
0xa4: {  	v2 =	vadd.f32 $1.111111120e-01, v2;
	_ =	sdelay $0x1  }
0xa5: {  	(erf) = vrcp.f32 v2;
	_ =	sdelay $0x8  }
0xa6: {  	v2 =	vpop (erf)  }
0xa7: {  	v3 =	vtrunc.f32 v2  }
0xa8: {  	v3 =	vcvt.f32.s32 v3;
	_ =	sdelay $0x1  }
0xa9: {  	v3 =	vand.u32 $0xF, v3  }
0xaa: {  	v4 =	vperm.xlane v1, v3  }
0xab: {  	p0 =	sne.s32 s0, $0xC0  }
.Ltmp1:
0xac: {  	v3 =	vperm.xlane v0, v3;
	v2 =	vmul.f32 v2, v4;
	(pc) =	sbr.rel @p0 .LBB2_5-.Ltmp1, $3  }
0xad: {  	_ = 	snop  }
0xae: {  	v2 =	vadd.f32 v2, v3;
	_ =	sdelay $0x1  }
0xaf: {  	s0 =	sadd.s32 $0x40, s0;
	[tilespmem:s1+$0xBFC0] =	vst v2  }
0xb0: {  	p0 =	seq.s32 s23, $0xF;
	s0 =	rddreg [dreg:$0x8]  }
0xb1: {  	s0 =	sadd.s32 @!p0 s24, s0;
	s1 =	simm.s32 @!p0 $0x0  }
0xb2: {  	[tilespmem:s1], [sflag:$0x1] =	stream.linear.gather @!p0 [hbm4b:s0+s1], $0x4000, $0x38;
	[tilespmem:$0x10100] =	vst v63  }
0xb3: {  	s14 =	sadd.s32 s24, s8;
	s15 =	simm.s32 $0x8000  }
0xb4: {  	[hbm4b:s14+s2] =	stream.linear.scatter [tilespmem:s15], [sflag:$0x3], $0x4000, $0x38;
	[tilespmem:$0x10100] =	vst v63  }
0xb5: {  	_ =	swait.ge [sflag:s18], $0x4000  }
0xb6: {  	[sflag:s18] =	ssyncset.done $0x0  }
0xb7: {  	s0 =	simm.s32 @!p1 $0x4;
	[sflag:s18] =	ssyncadd.s32 $0xFFFFC000  }
0xb8: {  	_ =	swait.ge @!p1 [sflag:s0], $0x4000  }
0xb9: {  	[sflag:s0] =	ssyncset.done @!p1 $0x0  }
0xba: {  	s17 =	simm.s32 $0x4010;
	s19 =	simm.s32 $0x40;
	[sflag:s0] =	ssyncadd.s32 @!p1 $0xFFFFC000  }
0xbb: {  	s3 =	simm.s32 $0x50;
	s5 =	sand.u32 $0x7FE0, s19;
	v2 =	vld [tilespmem:s17+$0xFFFFFFF0]  }
0xbc: {  	s10 =	sand.u32 $0x7FF0, s3;
	v3 =	vld [tilespmem:s5+$0x4000]  }
0xbd: {  	v4 =	vld [tilespmem:s10+$0x4000];
	_ =	sdelay $0x1  }
0xbe: {  	s20 =	simm.s32 $0x20  }
0xbf: {  	s21 =	simm.s32 $0x30;
	s25 =	sand.u32 $0x7FE0, s20;
	v2 =	vsub.f32 $-2.197224620e+00, v2  }
0xc0: {  	s6 =	sand.u32 $0x7FF0, s21;
	v5 =	vld [tilespmem:s25+$0x4000];
	v3 =	vsub.f32 $-2.197224620e+00, v3  }
0xc1: {  	v6 =	vld [tilespmem:s6+$0x4000];
	v4 =	vsub.f32 $-2.197224620e+00, v4;
	v2 =	vmul.f32 $1.442695020e+00, v2  }
0xc2: {  	v7 =	vld [tilespmem:s17+$0x0];
	v3 =	vmul.f32 $1.442695020e+00, v3  }
0xc3: {  	(erf) = vpow2.f32 v2;
	v2 =	vmul.f32 $1.442695020e+00, v4  }
0xc4: {  	(erf) = vpow2.f32 v3  }
0xc5: {  	v4 =	vsub.f32 $-2.197224620e+00, v5;
	(erf) = vpow2.f32 v2  }
0xc6: {  	v3 =	vsub.f32 $-2.197224620e+00, v6  }
0xc7: {  	v2 =	vsub.f32 $-2.197224620e+00, v7;
	v4 =	vmul.f32 $1.442695020e+00, v4  }
0xc8: {  	v3 =	vmul.f32 $1.442695020e+00, v3  }
0xc9: {  	v2 =	vmul.f32 $1.442695020e+00, v2;
	(erf) = vpow2.f32 v4  }
0xca: {  	s22 =	simm.s32 $0x4070;
	s26 =	simm.s32 $0xA0;
	(erf) = vpow2.f32 v3  }
0xcb: {  	s26 =	sand.u32 $0x7FE0, s26;
	(erf) = vpow2.f32 v2;
	v2 =	vld [tilespmem:s22+$0xFFFFFFF0]  }
0xcc: {  	v3 =	vld [tilespmem:s26+$0x4000];
	v4 =	vpop (erf)  }
0xcd: {  	v5 =	vpop (erf)  }
0xce: {  	s3 =	simm.s32 $0xB0;
	v7 =	vpop (erf)  }
0xcf: {  	s4 =	simm.s32 $0x80;
	s7 =	simm.s32 $0x90;
	s29 =	sand.u32 $0x7FF0, s3;
	v4 =	vadd.f32 $1.111111120e-01, v4;
	v7 =	vadd.f32 $1.111111120e-01, v7  }
0xd0: {  	s28 =	sand.u32 $0x7FE0, s4;
	s30 =	sand.u32 $0x7FF0, s7;
	v6 =	vld [tilespmem:s29+$0x4000];
	v2 =	vsub.f32 $-2.197224620e+00, v2  }
0xd1: {  	v3 =	vsub.f32 $-2.197224620e+00, v3;
	(erf) = vrcp.f32 v4;
	v4 =	vadd.f32 $1.111111120e-01, v5;
	v5 =	vld [tilespmem:s28+$0x4000]  }
0xd2: {  	v9 =	vld [tilespmem:s30+$0x4000];
	v8 =	vpop (erf);
	v2 =	vmul.f32 $1.442695020e+00, v2;
	(erf) = vrcp.f32 v7  }
0xd3: {  	v3 =	vmul.f32 $1.442695020e+00, v3;
	(erf) = vrcp.f32 v4;
	v7 =	vpop (erf)  }
0xd4: {  	(erf) = vpow2.f32 v2;
	v2 =	vadd.f32 $1.111111120e-01, v7;
	v7 =	vld [tilespmem:s22+$0x0]  }
0xd5: {  	v4 =	vsub.f32 $-2.197224620e+00, v6;
	v6 =	vpop (erf);
	(erf) = vpow2.f32 v3  }
0xd6: {  	v6 =	vadd.f32 $1.111111120e-01, v6;
	(erf) = vrcp.f32 v2;
	v2 =	vsub.f32 $-2.197224620e+00, v5  }
0xd7: {  	v3 =	vmul.f32 $1.442695020e+00, v4;
	v4 =	vsub.f32 $-2.197224620e+00, v9  }
0xd8: {  	s12 =	simm.s32 $0x40D0;
	(erf) = vrcp.f32 v6;
	v2 =	vmul.f32 $1.442695020e+00, v2  }
0xd9: {  	v11 =	vld [tilespmem:s12+$0x0];
	v4 =	vmul.f32 $1.442695020e+00, v4;
	(erf) = vpow2.f32 v3;
	v3 =	vsub.f32 $-2.197224620e+00, v7  }
0xda: {  	s13 =	simm.s32 $0xE0;
	v6 =	vpop (erf);
	(erf) = vpow2.f32 v2  }
0xdb: {  	s31 =	sand.u32 $0x7FE0, s13;
	s15 =	simm.s32 $0x110;
	v9 =	vpop (erf);
	v7 =	vtrunc.f32 v6;
	v2 =	vmul.f32 $1.442695020e+00, v3;
	v3 =	vld [tilespmem:s12+$0xFFFFFFF0]  }
0xdc: {  	v10 =	vpop (erf);
	v12 =	vcvt.f32.s32 v7;
	v7 =	vld [tilespmem:s31+$0x4000];
	s12 =	sand.u32 $0x7FF0, s15  }
0xdd: {  	s17 =	simm.s32 $0xF0;
	(erf) = vpow2.f32 v4;
	v5 =	vtrunc.f32 v9;
	v4 =	vpop (erf);
	v16 =	vld [tilespmem:s12+$0x4000]  }
0xde: {  	s14 =	simm.s32 $0x100;
	s1 =	sand.u32 $0x7FF0, s17;
	v11 =	vsub.f32 $-2.197224620e+00, v11;
	v5 =	vcvt.f32.s32 v5;
	v4 =	vadd.f32 $1.111111120e-01, v4  }
0xdf: {  	s0 =	sand.u32 $0x7FE0, s14;
	v18 =	vld [tilespmem:s1+$0x4000];
	v8 =	vadd.f32 $1.111111120e-01, v8;
	v14 =	vtrunc.f32 v10;
	(erf) = vpow2.f32 v2;
	v2 =	vpop (erf)  }
0xe0: {  	v15 =	vld [tilespmem:s0+$0x4000];
	v5 =	vand.u32 $0xF, v5;
	v13 =	vpop (erf);
	(erf) = vrcp.f32 v4;
	v3 =	vsub.f32 $-2.197224620e+00, v3  }
0xe1: {  	v4 =	vcvt.f32.s32 v14;
	v2 =	vadd.f32 $1.111111120e-01, v2;
	v7 =	vsub.f32 $-2.197224620e+00, v7;
	v17 =	vpop (erf)  }
0xe2: {  	(erf) = vrcp.f32 v8;
	v16 =	vsub.f32 $-2.197224620e+00, v16;
	v14 =	vpop (erf);
	v3 =	vmul.f32 $1.442695020e+00, v3  }
0xe3: {  	v19 =	vmul.f32 $1.442695020e+00, v7;
	v8 =	vadd.f32 $1.111111120e-01, v14;
	v14 =	vtrunc.f32 v13  }
0xe4: {  	v7 =	vsub.f32 $-2.197224620e+00, v18;
	v18 =	vperm.xlane v0, v5;
	v14 =	vcvt.f32.s32 v14  }
0xe5: {  	(erf) = vrcp.f32 v8;
	v8 =	vmul.f32 $1.442695020e+00, v11;
	v11 =	vsub.f32 $-2.197224620e+00, v15  }
0xe6: {  	v16 =	vmul.f32 $1.442695020e+00, v16;
	(erf) = vrcp.f32 v2  }
0xe7: {  	v15 =	vpop (erf);
	v14 =	vand.u32 $0xF, v14;
	v11 =	vmul.f32 $1.442695020e+00, v11;
	(erf) = vpow2.f32 v3  }
0xe8: {  	v2 =	vpop (erf);
	v29 =	vperm.xlane v0, v14;
	v14 =	vperm.xlane v1, v14  }
0xe9: {  	v20 =	vmul.f32 $1.442695020e+00, v7;
	v3 =	vpop (erf);
	v2 =	vadd.f32 $1.111111120e-01, v2;
	(erf) = vpow2.f32 v11  }
0xea: {  	v3 =	vadd.f32 $1.111111120e-01, v3;
	v11 =	vperm.xlane v1, v5;
	v14 =	vmul.f32 v13, v14  }
0xeb: {  	v7 =	vpop (erf);
	(erf) = vrcp.f32 v2;
	v2 =	vtrunc.f32 v17  }
0xec: {  	v23 =	vtrunc.f32 v7;
	(erf) = vrcp.f32 v3  }
0xed: {  	v21 =	vpop (erf);
	v2 =	vcvt.f32.s32 v2;
	v23 =	vcvt.f32.s32 v23  }
0xee: {  	v9 =	vmul.f32 v9, v11;
	(erf) = vpow2.f32 v16;
	v5 =	vpop (erf)  }
0xef: {  	v16 =	vand.u32 $0xF, v4;
	v4 =	vand.u32 $0xF, v12;
	(erf) = vpow2.f32 v19;
	v3 =	vpop (erf)  }
0xf0: {  	s19 =	simm.s32 $0x4130;
	v12 =	vperm.xlane v1, v16;
	v19 =	vperm.xlane v1, v4;
	v22 =	vpop (erf)  }
0xf1: {  	v24 =	vld [tilespmem:s19+$0xFFFFFFF0];
	v4 =	vperm.xlane v0, v4;
	(erf) = vpow2.f32 v20;
	v22 =	vadd.f32 $1.111111120e-01, v22  }
0xf2: {  	v16 =	vperm.xlane v0, v16;
	(erf) = vpow2.f32 v8  }
0xf3: {  	s20 =	simm.s32 $0x160;
	v20 =	vtrunc.f32 v5;
	(erf) = vrcp.f32 v22;
	v22 =	vld [tilespmem:s19+$0x0]  }
0xf4: {  	s15 =	sand.u32 $0x7FE0, s20;
	v15 =	vadd.f32 $1.111111120e-01, v15;
	v8 =	vtrunc.f32 v21;
	v26 =	vtrunc.f32 v3  }
0xf5: {  	s21 =	simm.s32 $0x170;
	v25 =	vand.u32 $0xF, v2;
	v6 =	vmul.f32 v6, v19;
	v11 =	vcvt.f32.s32 v26;
	v26 =	vld [tilespmem:s15+$0x4000]  }
0xf6: {  	s4 =	simm.s32 $0x140;
	s3 =	sand.u32 $0x7FF0, s21;
	v10 =	vmul.f32 v10, v12;
	v12 =	vsub.f32 $-2.197224620e+00, v24;
	v24 =	vperm.xlane v1, v25  }
0xf7: {  	s14 =	sand.u32 $0x7FE0, s4;
	v20 =	vcvt.f32.s32 v20;
	v19 =	vpop (erf);
	(erf) = vrcp.f32 v15;
	v15 =	vld [tilespmem:s3+$0x4000]  }
0xf8: {  	v8 =	vcvt.f32.s32 v8;
	v27 =	vadd.f32 v6, v4;
	v6 =	vld [tilespmem:s14+$0x4000];
	v2 =	vpop (erf);
	v22 =	vsub.f32 $-2.197224620e+00, v22  }
0xf9: {  	s22 =	simm.s32 $0x150;
	v12 =	vmul.f32 $1.442695020e+00, v12;
	v24 =	vmul.f32 v17, v24;
	v4 =	vpop (erf)  }
0xfa: {  	s4 =	sand.u32 $0x7FF0, s22;
	v61 =	vand.u32 $0xF, v8;
	v28 =	vpop (erf);
	v60 =	vmul.f32 $1.442695020e+00, v22;
	v22 =	vsub.f32 $-2.197224620e+00, v26  }
0xfb: {  	v30 =	vld [tilespmem:s4+$0x4000];
	v19 =	vadd.f32 $1.111111120e-01, v19;
	v13 =	vperm.xlane v0, v61;
	v28 =	vadd.f32 $1.111111120e-01, v28  }
0xfc: {  	s13 =	simm.s32 $0xC010;
	v31 =	vtrunc.f32 v2;
	v62 =	vtrunc.f32 v4;
	v15 =	vsub.f32 $-2.197224620e+00, v15  }
0xfd: {  	[tilespmem:s13+$0xFFFFFFF0] =	vst v27;
	v6 =	vsub.f32 $-2.197224620e+00, v6;
	v27 =	vcvt.f32.s32 v62;
	(erf) = vrcp.f32 v28  }
0xfe: {  	(erf) = vrcp.f32 v19;
	v19 =	vmul.f32 $1.442695020e+00, v22;
	v22 =	vpop (erf)  }
0xff: {  	v17 =	vand.u32 $0xF, v20;
	v20 =	vmul.f32 $1.442695020e+00, v6;
	(erf) = vpow2.f32 v12;
	v12 =	vpop (erf)  }
0x100: {  	v26 =	vsub.f32 $-2.197224620e+00, v30;
	v8 =	vmul.f32 $1.442695020e+00, v15;
	v15 =	vpop (erf);
	v12 =	vadd.f32 $1.111111120e-01, v12  }
0x101: {  	v6 =	vperm.xlane v0, v17;
	(erf) = vpow2.f32 v19;
	v32 =	vadd.f32 $1.111111120e-01, v15  }
0x102: {  	v14 =	vadd.f32 v14, v29;
	v26 =	vmul.f32 $1.442695020e+00, v26;
	(erf) = vrcp.f32 v12  }
0x103: {  	v19 =	vperm.xlane v0, v25;
	v25 =	vand.u32 $0xF, v23;
	(erf) = vrcp.f32 v32  }
0x104: {  	v18 =	vadd.f32 v9, v18;
	v23 =	vperm.xlane v1, v25;
	(erf) = vpow2.f32 v8  }
0x105: {  	v24 =	vadd.f32 v24, v19;
	v19 =	vperm.xlane v0, v25;
	v9 =	vpop (erf);
	(erf) = vpow2.f32 v20  }
0x106: {  	v63 =	vadd.f32 v10, v16;
	v8 =	vpop (erf);
	v20 =	vperm.xlane v1, v61;
	(erf) = vpow2.f32 v26  }
0x107: {  	[tilespmem:s6+$0xC000] =	vst v14;
	v15 =	vperm.xlane v1, v17;
	v17 =	vcvt.f32.s32 v31;
	v12 =	vand.u32 $0xF, v11;
	v10 =	vpop (erf)  }
0x108: {  	v14 =	vand.u32 $0xF, v27;
	[tilespmem:s13+$0x0] =	vst v24;
	v16 =	vperm.xlane v1, v12;
	v24 =	vtrunc.f32 v8;
	v11 =	vpop (erf)  }
0x109: {  	s21 =	simm.s32 $0x1D0;
	s20 =	simm.s32 $0x12;
	s6 =	simm.s32 $0xC130;
	[tilespmem:s10+$0xC000] =	vst v18;
	v18 =	vadd.f32 $1.111111120e-01, v22;
	v22 =	vtrunc.f32 v10;
	v25 =	vpop (erf);
	v21 =	vmul.f32 v21, v20  }
0x10a: {  	s10 =	simm.s32 $0xC0D0;
	[tilespmem:s5+$0xC000] =	vst v63;
	s5 =	simm.s32 $0xC070;
	s13 =	simm.s32 $0x4190;
	v26 =	vtrunc.f32 v9;
	(erf) = vpow2.f32 v60;
	v25 =	vadd.f32 $1.111111120e-01, v25;
	v20 =	vpop (erf)  }
.LBB2_7:
0x10b: {  	v27 =	vld [tilespmem:s13+$0xFFFFFFF0];
	s19 =	sadd.s32 $0xFFFFFFD0, s21;
	s22 =	sadd.s32 $0xFFFFFFE0, s21;
	s17 =	sand.u32 $0x7FF0, s21;
	v26 =	vcvt.f32.s32 v26;
	v28 =	vpop (erf);
	v7 =	vmul.f32 v7, v23;
	v13 =	vadd.f32 v21, v13  }
0x10c: {  	v22 =	vcvt.f32.s32 v22;
	v17 =	vand.u32 $0xF, v17;
	s7 =	sand.u32 $0x7FE0, s19;
	s22 =	sand.u32 $0x7FF0, s22;
	s19 =	sadd.s32 $0xFFFFFFF0, s21;
	v21 =	vld [tilespmem:s17+$0x4000];
	(erf) = vrcp.f32 v25;
	v23 =	vpop (erf)  }
0x10d: {  	s20 =	sadd.s32 $0x6, s20;
	v30 =	vtrunc.f32 v11;
	v15 =	vmul.f32 v5, v15;
	v25 =	vld [tilespmem:s13+$0x0];
	s19 =	sand.u32 $0x7FE0, s19;
	v29 =	vpop (erf);
	v34 =	vadd.f32 v7, v19;
	[tilespmem:s25+$0xC000] =	vst v13;
	s25 =	smov.u32 s28  }
0x10e: {  	v24 =	vcvt.f32.s32 v24;
	p1 =	slt.u32 s20, $0x3F6;
	v30 =	vcvt.f32.s32 v30;
	v22 =	vand.u32 $0xF, v22;
	s28 =	smov.u32 s31;
	s31 =	smov.u32 s14;
	v13 =	vld [tilespmem:s7+$0x4000];
	v19 =	vpop (erf)  }
0x10f: {  	v20 =	vadd.f32 $1.111111120e-01, v20;
	v16 =	vmul.f32 v3, v16;
	v26 =	vand.u32 $0xF, v26;
	s14 =	smov.u32 s7;
	v31 =	vld [tilespmem:s19+$0x4000];
	v32 =	vpop (erf);
	[tilespmem:s5+$0xFFFFFFF0] =	vst v34  }
0x110: {  	v5 =	vmovc v10;
	v7 =	vmovc v9;
	v27 =	vsub.f32 $-2.197224620e+00, v27;
	v33 =	vld [tilespmem:s22+$0x4000];
	(erf) = vrcp.f32 v18;
	v18 =	vperm.xlane v1, v14  }
0x111: {  	v3 =	vmovc v11;
	v9 =	vadd.f32 $1.111111120e-01, v29;
	v10 =	vsub.f32 $-2.197224620e+00, v21;
	v21 =	vperm.xlane v0, v17  }
0x112: {  	v11 =	vmul.f32 $1.442695020e+00, v27;
	v25 =	vsub.f32 $-2.197224620e+00, v25;
	v27 =	vtrunc.f32 v28  }
0x113: {  	v17 =	vperm.xlane v1, v17;
	v13 =	vsub.f32 $-2.197224620e+00, v13;
	v29 =	vpop (erf);
	(erf) = vrcp.f32 v9  }
0x114: {  	v18 =	vmul.f32 v4, v18;
	v4 =	vmovc v23;
	v34 =	vmul.f32 $1.442695020e+00, v25;
	v25 =	vsub.f32 $-2.197224620e+00, v31  }
0x115: {  	v23 =	vmul.f32 $1.442695020e+00, v13;
	v13 =	vsub.f32 $-2.197224620e+00, v33;
	v9 =	vpop (erf);
	(erf) = vrcp.f32 v20  }
0x116: {  	v12 =	vperm.xlane v0, v12;
	v20 =	vmul.f32 $1.442695020e+00, v25;
	v25 =	vadd.f32 $1.111111120e-01, v29  }
0x117: {  	v24 =	vand.u32 $0xF, v24;
	(erf) = vpow2.f32 v11;
	v11 =	vperm.xlane v0, v22  }
0x118: {  	v29 =	vmul.f32 $1.442695020e+00, v10;
	v10 =	vmul.f32 v2, v17;
	v17 =	vadd.f32 v15, v6;
	v2 =	vmovc v28  }
0x119: {  	v15 =	vadd.f32 $1.111111120e-01, v32;
	v28 =	vmul.f32 $1.442695020e+00, v13;
	v13 =	vperm.xlane v0, v24;
	v31 =	vpop (erf)  }
0x11a: {  	v12 =	vadd.f32 v16, v12;
	v14 =	vperm.xlane v0, v14;
	v6 =	vmovc v11;
	(erf) = vpow2.f32 v20;
	[tilespmem:s29+$0xC000] =	vst v17;
	s29 =	smov.u32 s12;
	s12 =	smov.u32 s3;
	s3 =	smov.u32 s17  }
0x11b: {  	v16 =	vadd.f32 v10, v21;
	(erf) = vrcp.f32 v15;
	v15 =	vperm.xlane v1, v22  }
0x11c: {  	v14 =	vadd.f32 v18, v14;
	v20 =	vtrunc.f32 v4;
	(erf) = vrcp.f32 v25;
	v10 =	vpop (erf);
	[tilespmem:s26+$0xC000] =	vst v12;
	s26 =	smov.u32 s0;
	s0 =	smov.u32 s15;
	s15 =	smov.u32 s19  }
0x11d: {  	v17 =	vcvt.f32.s32 v27;
	v12 =	vand.u32 $0xF, v30;
	(erf) = vpow2.f32 v29;
	[tilespmem:s30+$0xC000] =	vst v16;
	s30 =	smov.u32 s1;
	s1 =	smov.u32 s4;
	s4 =	smov.u32 s22  }
0x11e: {  	v16 =	vperm.xlane v1, v12;
	(erf) = vpow2.f32 v23;
	v11 =	vpop (erf);
	[tilespmem:s5+$0x0] =	vst v14;
	s5 =	smov.u32 s10;
	s10 =	smov.u32 s6  }
.Ltmp2:
0x11f: {  	v21 =	vperm.xlane v1, v24;
	(erf) = vpow2.f32 v28;
	(pc) =	sbr.rel @p1 .LBB2_7-.Ltmp2, $4  }
0x120: {  	v18 =	vadd.f32 $1.111111120e-01, v19;
	v23 =	vperm.xlane v1, v26;
	v14 =	vcvt.f32.s32 v20;
	v24 =	vpop (erf)  }
0x121: {  	v19 =	vperm.xlane v0, v26;
	v22 =	vtrunc.f32 v10  }
0x122: {  	v21 =	vmul.f32 v8, v21;
	v8 =	vmovc v31;
	v26 =	vtrunc.f32 v9;
	v14 =	vand.u32 $0xF, v14  }
0x123: {  	s21 =	sadd.s32 $0x60, s21;
	s13 =	sadd.s32 $0x60, s13;
	s6 =	sadd.s32 $0x60, s6;
	v25 =	vadd.f32 $1.111111120e-01, v24;
	v24 =	vtrunc.f32 v8;
	(erf) = vpow2.f32 v34;
	v20 =	vpop (erf)  }
0x124: {  	v26 =	vcvt.f32.s32 v26;
	v7 =	vmul.f32 v7, v23  }
0x125: {  	v22 =	vcvt.f32.s32 v22;
	v27 =	vtrunc.f32 v11  }
0x126: {  	v5 =	vmul.f32 v5, v15;
	v24 =	vcvt.f32.s32 v24  }
0x127: {  	v3 =	vmul.f32 v3, v16;
	v47 =	vperm.xlane v1, v14  }
0x128: {  	v12 =	vperm.xlane v0, v12;
	v54 =	vperm.xlane v0, v14  }
0x129: {  	v23 =	vpop (erf);
	v44 =	vand.u32 $0xF, v17;
	(erf) = vrcp.f32 v25;
	v27 =	vcvt.f32.s32 v27  }
0x12a: {  	v20 =	vadd.f32 $1.111111120e-01, v20;
	v48 =	vperm.xlane v0, v44;
	v28 =	vtrunc.f32 v23  }
0x12b: {  	v13 =	vadd.f32 v21, v13;
	v43 =	vpop (erf);
	v15 =	vperm.xlane v1, v44;
	(erf) = vrcp.f32 v18  }
0x12c: {  	v4 =	vmul.f32 v4, v47;
	v50 =	vand.u32 $0xF, v22;
	v24 =	vand.u32 $0xF, v24  }
0x12d: {  	v7 =	vadd.f32 v7, v19;
	v56 =	vtrunc.f32 v43;
	v57 =	vcvt.f32.s32 v28  }
0x12e: {  	v45 =	vpop (erf);
	v26 =	vand.u32 $0xF, v26;
	v29 =	vperm.xlane v0, v50;
	v2 =	vmul.f32 v2, v15  }
0x12f: {  	v46 =	vadd.f32 $1.111111120e-01, v45;
	v53 =	vperm.xlane v0, v24;
	v17 =	vperm.xlane v1, v50  }
0x130: {  	v5 =	vadd.f32 v5, v6;
	v24 =	vperm.xlane v1, v24;
	v30 =	vperm.xlane v1, v26  }
0x131: {  	v58 =	vand.u32 $0xF, v27;
	v26 =	vperm.xlane v0, v26;
	(erf) = vrcp.f32 v46  }
0x132: {  	v3 =	vadd.f32 v3, v12;
	v49 =	vpop (erf);
	v60 =	vperm.xlane v1, v58;
	(erf) = vrcp.f32 v20  }
0x133: {  	v51 =	vpop (erf);
	v36 =	vand.u32 $0xF, v57;
	v8 =	vmul.f32 v8, v24;
	v9 =	vmul.f32 v9, v30  }
0x134: {  	v22 =	vadd.f32 $1.111111120e-01, v51;
	v10 =	vmul.f32 v10, v17;
	v17 =	vperm.xlane v1, v36;
	v52 =	vpop (erf)  }
0x135: {  	v39 =	vperm.xlane v0, v36;
	v37 =	vmul.f32 v11, v60;
	v20 =	vadd.f32 $1.111111120e-01, v52  }
0x136: {  	v4 =	vadd.f32 v4, v54;
	v17 =	vmul.f32 v23, v17;
	(erf) = vrcp.f32 v22  }
0x137: {  	v16 =	vadd.f32 $1.111111120e-01, v49;
	v55 =	vpop (erf);
	(erf) = vrcp.f32 v20;
	v20 =	vcvt.f32.s32 v56  }
0x138: {  	v2 =	vadd.f32 v2, v48;
	v22 =	vperm.xlane v0, v58;
	v59 =	vpop (erf);
	v63 =	vtrunc.f32 v55  }
0x139: {  	v31 =	vtrunc.f32 v59;
	v18 =	vcvt.f32.s32 v63;
	v20 =	vand.u32 $0xF, v20  }
0x13a: {  	v8 =	vadd.f32 v8, v53;
	v14 =	vcvt.f32.s32 v31;
	v61 =	vpop (erf);
	v34 =	vperm.xlane v1, v20  }
0x13b: {  	v40 =	vand.u32 $0xF, v18;
	v20 =	vperm.xlane v0, v20;
	v32 =	vpop (erf);
	(erf) = vrcp.f32 v16  }
0x13c: {  	v9 =	vadd.f32 v9, v26;
	v62 =	vtrunc.f32 v61;
	v50 =	vperm.xlane v1, v40  }
0x13d: {  	[tilespmem:s25+$0xC000] =	vst v13;
	v10 =	vadd.f32 v10, v29;
	v51 =	vperm.xlane v0, v40;
	v12 =	vcvt.f32.s32 v62  }
0x13e: {  	[tilespmem:s5+$0xFFFFFFF0] =	vst v7;
	v14 =	vand.u32 $0xF, v14;
	v33 =	vtrunc.f32 v32;
	v15 =	vmul.f32 v43, v34  }
0x13f: {  	[tilespmem:s29+$0xC000] =	vst v5;
	v47 =	vadd.f32 v17, v39;
	v44 =	vperm.xlane v0, v14;
	v14 =	vperm.xlane v1, v14  }
0x140: {  	[tilespmem:s26+$0xC000] =	vst v3;
	v3 =	vadd.f32 v37, v22;
	v35 =	vcvt.f32.s32 v33;
	v38 =	vpop (erf);
	v53 =	vmul.f32 v55, v50  }
0x141: {  	[tilespmem:s5+$0x0] =	vst v4;
	v12 =	vand.u32 $0xF, v12;
	v41 =	vtrunc.f32 v38;
	v14 =	vmul.f32 v59, v14  }
0x142: {  	[tilespmem:s30+$0xC000] =	vst v2;
	v42 =	vperm.xlane v0, v12;
	v45 =	vperm.xlane v1, v12;
	v16 =	vand.u32 $0xF, v35  }
0x143: {  	[tilespmem:s28+$0xC000] =	vst v8;
	v15 =	vadd.f32 v15, v20;
	v2 =	vcvt.f32.s32 v41;
	v43 =	vpop (erf);
	v48 =	vperm.xlane v1, v16  }
0x144: {  	[tilespmem:s10+$0xFFFFFFF0] =	vst v9;
	v55 =	vadd.f32 v53, v51;
	v58 =	vperm.xlane v0, v16;
	v46 =	vtrunc.f32 v43;
	v49 =	vpop (erf)  }
0x145: {  	[tilespmem:s12+$0xC000] =	vst v10;
	v14 =	vadd.f32 v14, v44;
	v12 =	vcvt.f32.s32 v46;
	v52 =	vtrunc.f32 v49  }
0x146: {  	[tilespmem:s0+$0xC000] =	vst v3;
	v6 =	vmul.f32 v61, v45;
	v2 =	vand.u32 $0xF, v2;
	v3 =	vcvt.f32.s32 v52  }
0x147: {  	[tilespmem:s1+$0xC000] =	vst v47;
	v54 =	vmul.f32 v32, v48;
	v57 =	vperm.xlane v1, v2;
	v12 =	vand.u32 $0xF, v12  }
0x148: {  	[tilespmem:s10+$0x0] =	vst v15;
	v2 =	vperm.xlane v0, v2;
	v56 =	vperm.xlane v1, v12;
	v3 =	vand.u32 $0xF, v3  }
0x149: {  	[tilespmem:s6+$0xFFFFFFF0] =	vst v55;
	v6 =	vadd.f32 v6, v42;
	v10 =	vmul.f32 v38, v57;
	v59 =	vperm.xlane v1, v3  }
0x14a: {  	[tilespmem:s31+$0xC000] =	vst v14;
	v62 =	vadd.f32 v54, v58;
	v61 =	vperm.xlane v0, v12;
	v60 =	vmul.f32 v43, v56  }
0x14b: {  	[tilespmem:s3+$0xC000] =	vst v6;
	v2 =	vadd.f32 v10, v2;
	v3 =	vperm.xlane v0, v3;
	v63 =	vmul.f32 v49, v59  }
0x14c: {  	[tilespmem:s15+$0xC000] =	vst v62;
	v4 =	vadd.f32 v60, v61  }
0x14d: {  	[tilespmem:s4+$0xC000] =	vst v2;
	v2 =	vadd.f32 v63, v3  }
0x14e: {  	[tilespmem:s6+$0x0] =	vst v4  }
0x14f: {  	s0 =	simm.s32 $0x0;
	[tilespmem:s14+$0xC000] =	vst v2  }
.LBB2_9:
0x150: {  	s1 =	sshra.s32 s0, $0x2  }
0x151: {  	v2 =	vld [tilespmem:s1+$0x7FC0];
	_ =	sdelay $0x4  }
0x152: {  	v2 =	vsub.f32 $-2.197224620e+00, v2;
	_ =	sdelay $0x1  }
0x153: {  	v2 =	vmul.f32 $1.442695020e+00, v2;
	_ =	sdelay $0x1  }
0x154: {  	(erf) = vpow2.f32 v2;
	_ =	sdelay $0x8  }
0x155: {  	v2 =	vpop (erf)  }
0x156: {  	v2 =	vadd.f32 $1.111111120e-01, v2;
	_ =	sdelay $0x1  }
0x157: {  	(erf) = vrcp.f32 v2;
	_ =	sdelay $0x8  }
0x158: {  	v2 =	vpop (erf)  }
0x159: {  	v3 =	vtrunc.f32 v2  }
0x15a: {  	v3 =	vcvt.f32.s32 v3;
	_ =	sdelay $0x1  }
0x15b: {  	v3 =	vand.u32 $0xF, v3  }
0x15c: {  	v4 =	vperm.xlane v1, v3  }
0x15d: {  	p1 =	sne.s32 s0, $0xC0  }
.Ltmp3:
0x15e: {  	v3 =	vperm.xlane v0, v3;
	v2 =	vmul.f32 v2, v4;
	(pc) =	sbr.rel @p1 .LBB2_9-.Ltmp3, $3  }
0x15f: {  	_ = 	snop  }
0x160: {  	v2 =	vadd.f32 v2, v3;
	_ =	sdelay $0x1  }
0x161: {  	s0 =	sadd.s32 $0x40, s0;
	[tilespmem:s1+$0xFFC0] =	vst v2  }
0x162: {  	s0 =	sadd.s32 @!p0 s24, s9  }
0x163: {  	s1 =	simm.s32 @!p0 $0x0;
	s3 =	simm.s32 @!p0 $0x4000;
	s23 =	sadd.s32 $0x1, s23  }
0x164: {  	[tilespmem:s3], [sflag:$0x2] =	stream.linear.gather @!p0 [hbm4b:s0+s1], $0x4000, $0x38;
	[tilespmem:$0x10100] =	vst v63  }
0x165: {  	p0 =	sne.s32 s23, $0x10  }
.Ltmp4:
0x166: {  	_ = 	snop;
	(pc) =	sbr.rel @p0 .LBB2_2-.Ltmp4, $3  }
0x167: {  	_ =	sdelay $0x1  }
0x168: {  	s30 =	sadd.s32 s11, s24;
	s31 =	simm.s32 $0xC000  }
0x169: {  	[hbm4b:s30+s2] =	stream.linear.scatter [tilespmem:s31], [sflag:$0x4], $0x4000, $0x38;
	[tilespmem:$0x10100] =	vst v63  }
0x16a: {  	s0 =	simm.s32 $0x3  }
0x16b: {  	_ =	swait.ge [sflag:s0], $0x4000  }
0x16c: {  	[sflag:s0] =	ssyncset.done $0x0  }
0x16d: {  	s1 =	simm.s32 $0x4;
	[sflag:s0] =	ssyncadd.s32 $0xFFFFC000  }
0x16e: {  	_ =	swait.ge [sflag:s1], $0x4000  }
0x16f: {  	s3 =	rddreg [dreg:$0xa]  }
0x170: {  	s31 =	rddreg [dreg:$0x9];
	s3 =	sadd.s32 $0x1, s3  }
0x171: {  	p0 =	sne.s32 s3, s31  }
.Ltmp5:
0x172: {  	_ = 	snop;
	(pc) =	sbr.rel @p0 .LBB2_1-.Ltmp5, $3  }
0x173: {  	_ =	sdelay $0x1  }
0x174: {  	[sflag:s1] =	ssyncset.done $0x0  }
0x175: {  	[sflag:s1] =	ssyncadd.s32 $0xFFFFC000  }
0x176: {  	_ =	sfence.sel $0x180000  }
0x177: {  	[bflag:$0x0] =	sbarrier.arrive $0xFFFF  }
0x178: {  	_ =	strace $0x90000047  }
0x179: {  	s0 =	stileid.u32;
	[bflag:$0x2] =	sbarrier.arrive $0xFFFF  }
0x17a: {  	p0 =	sne.s32 s0, $0x0;
	s0 =	rddreg [dreg:$0x3]  }
0x17b: {  	s0 =	sadd.s32 @!p0 $0x100000, s0  }
0x17c: {  	[sflag:s0] =	ssyncadd.tile.s32 @!p0 $0x1;
	_ =	shalt  }
.Lfunc_end2:
_tile_overlayer_lowered:
.L_overlay_start_2:
0x17d: {  	(tag) =	ssettag $0x2  }
0x17e: {  	s0 =	rddreg [dreg:$0x0];
	s2 =	stileid.u32  }
0x17f: {  	s1 =	rddreg [dreg:$0x1];
	p0 =	sne.s32 s2, $0x0  }
0x180: {  	s3 =	rddreg [dreg:$0x2];
	[bflag:$0x3] =	sbarrier.arrive $0xFFFF;
	s2 =	simm.s32 @!p0 $0x1C05  }
0x181: {  	[timem:s3], [sflag:s2] =	dma.local @!p0 [hbm:s0], s1  }
0x182: {  	s0 =	simm.s32 @!p0 $0x5  }
0x183: {  	_ =	swait.ge @!p0 [sflag:s0], s1  }
0x184: {  	s1 =	ssub.s32 @!p0 $0x0, s1;
	[sflag:s0] =	ssyncset.done @!p0 $0x0  }
0x185: {  	[sflag:s0] =	ssyncadd.s32 @!p0 s1  }
0x186: {  	[bflag:$0x3] =	sbarrier.arrive $0xFFFF  }
0x187: {  	_ =	shalt  }

</sc_bundles>
